<compile_context>
chip_gen: v7x
topology: tpu7x:2x2x1
jax: 0.10.2.dev20260603
libtpu: 0.0.44.dev20260713+nightly
codegen_flags: <defaults>
</compile_context>

<pallas_src>
import functools

import jax
import jax.numpy as jnp
from jax import lax
from jax.experimental import pallas as pl
from jax.experimental.pallas import tpu as pltpu
from jax.experimental.pallas import tpu_sc as plsc

N_ROWS = 100000
N_CLS = 80
TR = N_ROWS // 8

NW = 32
SC_TR = 5120
PER_W = SC_TR // NW
K = 16
NCH = PER_W // K
RPT = PER_W * 8
CHW = K * 8 * N_CLS

TC_BLK = 4000
TC_OFF = 10
TC_NB = 15
TC_OVL = SC_TR * 8 - TC_OFF * TC_BLK

LN2 = 0.6931471805599453
PC0 = 6.944574454190702e-05
PC1 = 0.9962619482337948
PC2 = -0.4664424386275713
PC3 = 0.21866548366222927
PC4 = -0.05545931374208457

_sc_mesh = plsc.VectorSubcoreMesh(core_axis_name="c", subcore_axis_name="s")


def _ln16(x):
    bits = lax.bitcast_convert_type(x, jnp.int32)
    e = (bits >> 23) - 127
    m = lax.bitcast_convert_type((bits & 0x7FFFFF) | 0x3F800000, jnp.float32)
    t = m - 1.0
    p = PC4 * t + PC3
    p = p * t + PC2
    p = p * t + PC1
    p = p * t + PC0
    return e.astype(jnp.float32) * LN2 + p


@functools.partial(
    pl.kernel,
    mesh=_sc_mesh,
    out_type=jax.ShapeDtypeStruct((NW, 16), jnp.float32),
    scratch_types=[
        pltpu.VMEM((K * 8, N_CLS), jnp.float32),
        pltpu.VMEM((CHW,), jnp.float32),
        pltpu.VMEM((3, RPT), jnp.float32),
        pltpu.VMEM((K * 8,), jnp.int32),
        pltpu.VMEM((K * 8,), jnp.float32),
        pltpu.VMEM_SHARED((16 * CHW,), jnp.float32),
        pltpu.VMEM((16,), jnp.float32),
        pltpu.SemaphoreType.DMA,
        pltpu.SemaphoreType.DMA,
        pltpu.SemaphoreType.DMA,
    ],
    cost_estimate=pl.CostEstimate(
        flops=200_000_000, transcendentals=0, bytes_accessed=21_000_000
    ),
    compiler_params=pltpu.CompilerParams(use_tc_tiling_on_sc=True),
)
def _sc_part(pred_hbm, aux_hbm, out_hbm, buf, flat, auxv, idxb, patb,
             shared, accv, sem, sema, semg):
    cid = lax.axis_index("c")
    sid = lax.axis_index("s")
    wid = sid * 2 + cid
    base = wid * PER_W

    pltpu.async_copy(aux_hbm.at[:, pl.ds(base * 8, RPT)], auxv, sema).wait()

    iot = lax.iota(jnp.int32, 16)

    def chunk(ch, accs):
        acc_d, acc_c = accs
        pltpu.async_copy(
            pred_hbm.at[pl.ds((base + ch * K) * 8, K * 8)], buf, sem
        ).wait()

        def tr(r, a):
            t = a
            for v in range(5):
                p = buf[r, v * 16:(v + 1) * 16]
                flat[pl.ds(r * N_CLS + v * 16, 16)] = p
                l1p = _ln16(1.0 - p)
                t = t + l1p * (p * p)
            return t

        acc_d = lax.fori_loop(0, K * 8, tr, acc_d)

        pltpu.sync_copy(flat, shared.at[pl.ds(sid * CHW, CHW)])

        def idxg(g, carry):
            off = ch * (K * 8) + g * 16
            lab = auxv[0, pl.ds(off, 16)]
            li = jnp.clip(lab, 0.0, float(N_CLS - 1)).astype(jnp.int32)
            r16 = g * 16 + iot
            idxb[pl.ds(g * 16, 16)] = sid * CHW + r16 * N_CLS + li
            return carry

        lax.fori_loop(0, K * 8 // 16, idxg, 0)
        pltpu.async_copy(shared.at[idxb], patb, semg).wait()

        def grp(g, a):
            off = ch * (K * 8) + g * 16
            lab = auxv[0, pl.ds(off, 16)]
            s = auxv[1, pl.ds(off, 16)]
            w = auxv[2, pl.ds(off, 16)]
            valid = (lab >= 0.0) & (lab < float(N_CLS))
            p_at = patb[pl.ds(g * 16, 16)]
            lp = _ln16(p_at)
            l1p = _ln16(1.0 - p_at)
            posval = -((lp - l1p) * s + l1p) * w
            negat = l1p * (p_at * p_at) * -0.75
            return a + jnp.where(valid, posval - negat, 0.0)

        acc_c = lax.fori_loop(0, K * 8 // 16, grp, acc_c)
        return (acc_d, acc_c)

    z = jnp.zeros((16,), jnp.float32)
    acc_d, acc_c = lax.fori_loop(0, NCH, chunk, (z, z))
    accv[...] = acc_d * -0.75 + acc_c
    pltpu.sync_copy(accv, out_hbm.at[wid])


def _tc_body(pred_ref, aux_ref, out_ref, acc_ref):
    i = pl.program_id(0)
    nb = pl.num_programs(0)
    blk = TC_BLK

    p = pred_ref[...]
    labf = aux_ref[0, 0:1, :]
    s = aux_ref[0, 1:2, :]
    w = aux_ref[0, 2:3, :]
    slab = jnp.where((labf >= 0.0) & (labf < N_CLS), labf, -1.0)

    logp = jnp.maximum(jnp.log(p), -100.0)
    log1mp = jnp.maximum(jnp.log(1.0 - p), -100.0)
    neg = log1mp * (p * p) * -0.75

    jota = jax.lax.broadcasted_iota(jnp.int32, (N_CLS, blk), 0).astype(jnp.float32)
    match = jota == slab
    zero = jnp.zeros((), jnp.float32)
    e_ws = jnp.where(match, -(w * s), zero)
    e_w1 = jnp.where(match, -(w * (1.0 - s)), zero)
    e_1 = jnp.where(match, -1.0, zero)

    m = (
        jnp.dot(e_ws, logp, preferred_element_type=jnp.float32)
        + jnp.dot(e_w1, log1mp, preferred_element_type=jnp.float32)
        + jnp.dot(e_1, neg, preferred_element_type=jnp.float32)
    )
    diag = jax.lax.broadcasted_iota(jnp.int32, (N_CLS, N_CLS), 0) == (
        jax.lax.broadcasted_iota(jnp.int32, (N_CLS, N_CLS), 1)
    )
    corr8 = jnp.where(diag, m, zero).reshape(N_CLS // 8, 8, N_CLS).sum(axis=0)

    @pl.when(i == 0)
    def _init():
        sufx = neg[TC_OVL:].reshape((blk - TC_OVL) // 8, 8, N_CLS).sum(axis=0)
        acc_ref[...] = sufx + corr8

    @pl.when(i > 0)
    def _acc():
        full = neg.reshape(blk // 8, 8, N_CLS).sum(axis=0)
        acc_ref[...] += full + corr8

    @pl.when(i == nb - 1)
    def _fin():
        out_ref[0, 0] = jnp.sum(acc_ref[...])


def kernel(pred, label, score, weight):
    n_rows, n_cls = pred.shape

    aux = jnp.stack([label.astype(jnp.float32), score, weight])

    r0 = TC_OFF * TC_BLK
    labt = jnp.concatenate(
        [jnp.full((TC_OVL,), -1.0, jnp.float32),
         label[r0 + TC_OVL:].astype(jnp.float32)]
    )
    aux_tc = (
        jnp.stack([labt, score[r0:], weight[r0:]])
        .reshape(3, TC_NB, TC_BLK)
        .transpose(1, 0, 2)
    )

    tc_out = pl.pallas_call(
        _tc_body,
        grid=(TC_NB,),
        in_specs=[
            pl.BlockSpec((TC_BLK, n_cls), lambda i: (i + TC_OFF, 0)),
            pl.BlockSpec((1, 3, TC_BLK), lambda i: (i, 0, 0)),
        ],
        out_specs=pl.BlockSpec(
            (1, 1), lambda i: (0, 0), memory_space=pltpu.SMEM
        ),
        out_shape=jax.ShapeDtypeStruct((1, 1), jnp.float32),
        scratch_shapes=[pltpu.VMEM((8, n_cls), jnp.float32)],
        cost_estimate=pl.CostEstimate(
            flops=300_000_000, transcendentals=10_000_000,
            bytes_accessed=31_000_000,
        ),
    )(pred, aux_tc)

    sc_out = _sc_part(pred, aux)
    return (tc_out[0, 0] + jnp.sum(sc_out)) * (1.0 / n_rows)

# --- scband reference (transcript-rebuilt; emitter-appended) ---
"""Pipeline reference for scband-soft-focal-loss-16776142258239 (READ-ONLY COPY).

The authoritative reference and input builder live on the scoring server;
editing this copy changes nothing except your own understanding.
"""

import jax, jax.numpy as jnp
import numpy as np

N = 100000
C = 80


def _bce(p, t):
    # torch F.binary_cross_entropy with log clamped at -100
    logp = jnp.clip(jnp.log(p), -100.0, None)
    log1mp = jnp.clip(jnp.log(1.0 - p), -100.0, None)
    return -(t * logp + (1.0 - t) * log1mp)


def setup_inputs(seed: int = 0) -> dict:
    key = jax.random.key(seed)
    k1, k2, k3, k4 = jax.random.split(key, 4)
    pred = jax.random.uniform(k1, (N, C), dtype=jnp.float32, minval=1e-4, maxval=1.0 - 1e-4)
    label = jax.random.randint(k2, (N,), 0, C + 1, dtype=jnp.int32)
    score = jax.random.uniform(k3, (N,), dtype=jnp.float32)
    weight = jax.random.uniform(k4, (N,), dtype=jnp.float32)
    return {"pred": pred, "label": label, "score": score, "weight": weight}


def reference(pred, label, score, weight):
    beta = 2.0
    loss_weight = 1.0
    num_classes = pred.shape[1]
    # negative (background) branch: BCE against zero label, modulated by pred^beta * 0.75
    scale_factor = pred
    neg_loss = _bce(pred, jnp.zeros_like(pred)) * jnp.power(scale_factor, beta) * 0.75
    # positive samples: label in [0, num_classes)
    pos_mask = (label >= 0) & (label < num_classes)
    lab = jnp.clip(label, 0, num_classes - 1)
    pred_at = jnp.take_along_axis(pred, lab[:, None], axis=1)[:, 0]
    pos_val = _bce(pred_at, score) * weight
    # overwrite loss[pos, pos_label] with pos_val (scatter-set, expressed functionally)
    onehot = (jnp.arange(num_classes)[None, :] == lab[:, None]) & pos_mask[:, None]
    loss = jnp.where(onehot, pos_val[:, None], neg_loss)
    loss = loss.sum(-1)
    # weighted_loss decorator: weight arg is None, reduction='mean', avg_factor=None -> plain mean
    return loss_weight * loss.mean()

if __name__ == "__main__":
    import jax
    _d = setup_inputs()
    print(jax.jit(kernel)(*tuple(_d.values())))

</pallas_src>

<mosaic_0001>
#map = affine_map<(d0, d1) -> (0, 0)>
module attributes {stable_mosaic.version = 14 : i64} {
  func.func @_sc_part(%arg0: i32, %arg1: i32, %arg2: memref<100000x80xf32, #tpu.memory_space<hbm>>, %arg3: memref<3x100000xf32, #tpu.memory_space<hbm>>, %arg4: memref<32x16xf32, #tpu.memory_space<hbm>>, %arg5: memref<128x80xf32, #tpu.memory_space<vmem>>, %arg6: memref<10240xf32, #tpu.memory_space<vmem>>, %arg7: memref<3x1280xf32, #tpu.memory_space<vmem>>, %arg8: memref<128xi32, #tpu.memory_space<vmem>>, %arg9: memref<128xf32, #tpu.memory_space<vmem>>, %arg10: memref<163840xf32, #tpu.memory_space<vmem_shared>>, %arg11: memref<16xf32, #tpu.memory_space<vmem>>, %arg12: memref<!tpu.dma_semaphore, #tpu.memory_space<semaphore_mem>>, %arg13: memref<!tpu.dma_semaphore, #tpu.memory_space<semaphore_mem>>, %arg14: memref<!tpu.dma_semaphore, #tpu.memory_space<semaphore_mem>>) attributes {dimension_semantics = [#tpu.dimension_semantics<core_parallel>, #tpu.dimension_semantics<subcore_parallel>], iteration_bounds = array<i64: 2, 16>, scalar_prefetch = 0 : i64, scratch_operands = 10 : i64, tpu.core_type = #tpu.core_type<sc_vector_subcore>, window_params = [{transform_indices = #map}, {transform_indices = #map}, {transform_indices = #map}]} {
    %mul3A = arith.constant 2 : i32
    %mul3A_0 = arith.muli %arg1, %mul3A : i32
    %add3A = arith.addi %mul3A_0, %arg0 : i32
    %mul3A_1 = arith.constant 160 : i32
    %mul3A_2 = arith.muli %add3A, %mul3A_1 : i32
    %mul3A_3 = arith.constant 8 : i32
    %mul3A_4 = arith.muli %mul3A_2, %mul3A_3 : i32
    %dma_start3A = arith.constant 0 : i32
    %dma_start3A_5 = tpu.memref_slice %arg3[%dma_start3A, %mul3A_4] : memref<3x100000xf32, #tpu.memory_space<hbm>> -> memref<3x1280xf32, #tpu.memory_space<hbm>>
    %dma_start3A_6 = arith.constant 0 : i32
    %dma_start3A_7 = tpu.memref_slice %arg3[%dma_start3A_6, %mul3A_4] : memref<3x100000xf32, #tpu.memory_space<hbm>> -> memref<3x1280xf32, #tpu.memory_space<hbm>>
    tpu.enqueue_dma source(%dma_start3A_7 : memref<3x1280xf32, #tpu.memory_space<hbm>>) target(%arg7 : memref<3x1280xf32, #tpu.memory_space<vmem>>) target_semaphore(%arg13 : memref<!tpu.dma_semaphore, #tpu.memory_space<semaphore_mem>>)
    %dma_wait3A = arith.constant 0 : i32
    %dma_wait3A_8 = tpu.memref_slice %arg3[%dma_wait3A, %mul3A_4] : memref<3x100000xf32, #tpu.memory_space<hbm>> -> memref<3x1280xf32, #tpu.memory_space<hbm>>
    %dma_wait3A_9 = arith.constant 0 : i32
    %dma_wait3A_10 = tpu.memref_slice %arg3[%dma_wait3A_9, %mul3A_4] : memref<3x100000xf32, #tpu.memory_space<hbm>> -> memref<3x1280xf32, #tpu.memory_space<hbm>>
    tpu.wait_dma2 semaphore(%arg13 : memref<!tpu.dma_semaphore, #tpu.memory_space<semaphore_mem>>) src(%dma_wait3A_10 : memref<3x1280xf32, #tpu.memory_space<hbm>>) dst(%arg7 : memref<3x1280xf32, #tpu.memory_space<vmem>>)
    %iota3A = tpu.iota {dimensions = array<i32: 0>} : vector<16xi32>
    %broadcast_in_dim3A = arith.constant 0.000000e+00 : f32
    %broadcast_in_dim3A_11 = vector.broadcast %broadcast_in_dim3A : f32 to vector<16xf32>
    %scan3A = arith.constant 0 : i32
    %scan3A_12 = arith.constant 10 : i32
    %scan3A_13 = arith.addi %scan3A, %scan3A_12 : i32
    %scan3A_14 = arith.constant 1 : i32
    %scan3A_15:2 = scf.for %scan3A_24 = %scan3A to %scan3A_13 step %scan3A_14 iter_args(%scan3A_25 = %broadcast_in_dim3A_11, %scan3A_26 = %broadcast_in_dim3A_11) -> (vector<16xf32>, vector<16xf32>)  : i32 {
      %mul3A_27 = arith.constant 16 : i32
      %mul3A_28 = arith.muli %scan3A_24, %mul3A_27 : i32
      %add3A_29 = arith.addi %mul3A_2, %mul3A_28 : i32
      %mul3A_30 = arith.constant 8 : i32
      %mul3A_31 = arith.muli %add3A_29, %mul3A_30 : i32
      %dma_start3A_32 = arith.constant 0 : i32
      %dma_start3A_33 = tpu.memref_slice %arg2[%mul3A_31, %dma_start3A_32] : memref<100000x80xf32, #tpu.memory_space<hbm>> -> memref<128x80xf32, #tpu.memory_space<hbm>>
      %dma_start3A_34 = arith.constant 0 : i32
      %dma_start3A_35 = tpu.memref_slice %arg2[%mul3A_31, %dma_start3A_34] : memref<100000x80xf32, #tpu.memory_space<hbm>> -> memref<128x80xf32, #tpu.memory_space<hbm>>
      tpu.enqueue_dma source(%dma_start3A_35 : memref<128x80xf32, #tpu.memory_space<hbm>>) target(%arg5 : memref<128x80xf32, #tpu.memory_space<vmem>>) target_semaphore(%arg12 : memref<!tpu.dma_semaphore, #tpu.memory_space<semaphore_mem>>)
      %dma_wait3A_36 = arith.constant 0 : i32
      %dma_wait3A_37 = tpu.memref_slice %arg2[%mul3A_31, %dma_wait3A_36] : memref<100000x80xf32, #tpu.memory_space<hbm>> -> memref<128x80xf32, #tpu.memory_space<hbm>>
      %dma_wait3A_38 = arith.constant 0 : i32
      %dma_wait3A_39 = tpu.memref_slice %arg2[%mul3A_31, %dma_wait3A_38] : memref<100000x80xf32, #tpu.memory_space<hbm>> -> memref<128x80xf32, #tpu.memory_space<hbm>>
      tpu.wait_dma2 semaphore(%arg12 : memref<!tpu.dma_semaphore, #tpu.memory_space<semaphore_mem>>) src(%dma_wait3A_39 : memref<128x80xf32, #tpu.memory_space<hbm>>) dst(%arg5 : memref<128x80xf32, #tpu.memory_space<vmem>>)
      %scan3A_40 = arith.constant 0 : i32
      %scan3A_41 = arith.constant 128 : i32
      %scan3A_42 = arith.addi %scan3A_40, %scan3A_41 : i32
      %scan3A_43 = arith.constant 1 : i32
      %scan3A_44 = scf.for %scan3A_64 = %scan3A_40 to %scan3A_42 step %scan3A_43 iter_args(%scan3A_65 = %scan3A_25) -> (vector<16xf32>)  : i32 {
        %get3A = arith.index_cast %scan3A_64 : i32 to index
        %get3A_66 = arith.constant 0 : index
        %get3A_67 = tpu.vector_load %arg5[%get3A, %get3A_66] {strides = array<i32>} : memref<128x80xf32, #tpu.memory_space<vmem>>, vector<1x16xf32>,
        %get3A_68 = vector.shape_cast %get3A_67 : vector<1x16xf32> to vector<16xf32>
        %mul3A_69 = arith.constant 80 : i32
        %mul3A_70 = arith.muli %scan3A_64, %mul3A_69 : i32
        %add3A_71 = arith.constant 0 : i32
        %add3A_72 = arith.addi %mul3A_70, %add3A_71 : i32
        %swap3A_73 = arith.index_cast %add3A_72 : i32 to index
        %swap3A_74 = tpu.vector_load %arg6[%swap3A_73] {strides = array<i32>} : memref<10240xf32, #tpu.memory_space<vmem>>, vector<16xf32>,
        %swap3A_75 = vector.shape_cast %swap3A_74 : vector<16xf32> to vector<16xf32>
        %swap3A_76 = vector.shape_cast %get3A_68 : vector<16xf32> to vector<16xf32>
        tpu.vector_store %arg6[%swap3A_73], %swap3A_76 {strides = array<i32>} : memref<10240xf32, #tpu.memory_space<vmem>>, vector<16xf32>,
        %sub3A = arith.constant 1.000000e+00 : f32
        %sub3A_77 = vector.broadcast %sub3A : f32 to vector<16xf32>
        %sub3A_78 = arith.subf %sub3A_77, %get3A_68 : vector<16xf32>
        %bitcast_convert_type3A = tpu.bitcast %sub3A_78 : vector<16xf32> -> vector<16xi32>
        %shift_right_arithmetic3A = arith.constant 23 : i32
        %shift_right_arithmetic3A_79 = vector.broadcast %shift_right_arithmetic3A : i32 to vector<16xi32>
        %shift_right_arithmetic3A_80 = arith.shrsi %bitcast_convert_type3A, %shift_right_arithmetic3A_79 : vector<16xi32>
        %sub3A_81 = arith.constant 127 : i32
        %sub3A_82 = vector.broadcast %sub3A_81 : i32 to vector<16xi32>
        %sub3A_83 = arith.subi %shift_right_arithmetic3A_80, %sub3A_82 : vector<16xi32>
        %and3A = arith.constant 8388607 : i32
        %and3A_84 = vector.broadcast %and3A : i32 to vector<16xi32>
        %and3A_85 = arith.andi %bitcast_convert_type3A, %and3A_84 : vector<16xi32>
        %or3A = arith.constant 1065353216 : i32
        %or3A_86 = vector.broadcast %or3A : i32 to vector<16xi32>
        %or3A_87 = arith.ori %and3A_85, %or3A_86 : vector<16xi32>
        %bitcast_convert_type3A_88 = tpu.bitcast %or3A_87 : vector<16xi32> -> vector<16xf32>
        %sub3A_89 = arith.constant 1.000000e+00 : f32
        %sub3A_90 = vector.broadcast %sub3A_89 : f32 to vector<16xf32>
        %sub3A_91 = arith.subf %bitcast_convert_type3A_88, %sub3A_90 : vector<16xf32>
        %mul3A_92 = arith.constant -0.0554593131 : f32
        %mul3A_93 = vector.broadcast %mul3A_92 : f32 to vector<16xf32>
        %mul3A_94 = arith.mulf %mul3A_93, %sub3A_91 : vector<16xf32>
        %add3A_95 = arith.constant 0.218665481 : f32
        %add3A_96 = vector.broadcast %add3A_95 : f32 to vector<16xf32>
        %add3A_97 = arith.addf %mul3A_94, %add3A_96 : vector<16xf32>
        %mul3A_98 = arith.mulf %add3A_97, %sub3A_91 : vector<16xf32>
        %add3A_99 = arith.constant -0.466442436 : f32
        %add3A_100 = vector.broadcast %add3A_99 : f32 to vector<16xf32>
        %add3A_101 = arith.addf %mul3A_98, %add3A_100 : vector<16xf32>
        %mul3A_102 = arith.mulf %add3A_101, %sub3A_91 : vector<16xf32>
        %add3A_103 = arith.constant 0.996261954 : f32
        %add3A_104 = vector.broadcast %add3A_103 : f32 to vector<16xf32>
        %add3A_105 = arith.addf %mul3A_102, %add3A_104 : vector<16xf32>
        %mul3A_106 = arith.mulf %add3A_105, %sub3A_91 : vector<16xf32>
        %add3A_107 = arith.constant 6.94457412E-5 : f32
        %add3A_108 = vector.broadcast %add3A_107 : f32 to vector<16xf32>
        %add3A_109 = arith.addf %mul3A_106, %add3A_108 : vector<16xf32>
        %convert_element_type3A = arith.sitofp %sub3A_83 : vector<16xi32> to vector<16xf32>
        %mul3A_110 = arith.constant 0.693147182 : f32
        %mul3A_111 = vector.broadcast %mul3A_110 : f32 to vector<16xf32>
        %mul3A_112 = arith.mulf %convert_element_type3A, %mul3A_111 : vector<16xf32>
        %add3A_113 = arith.addf %mul3A_112, %add3A_109 : vector<16xf32>
        %mul3A_114 = arith.mulf %get3A_68, %get3A_68 : vector<16xf32>
        %mul3A_115 = arith.mulf %add3A_113, %mul3A_114 : vector<16xf32>
        %add3A_116 = arith.addf %scan3A_65, %mul3A_115 : vector<16xf32>
        %get3A_117 = arith.index_cast %scan3A_64 : i32 to index
        %get3A_118 = arith.constant 16 : index
        %get3A_119 = tpu.vector_load %arg5[%get3A_117, %get3A_118] {strides = array<i32>} : memref<128x80xf32, #tpu.memory_space<vmem>>, vector<1x16xf32>,
        %get3A_120 = vector.shape_cast %get3A_119 : vector<1x16xf32> to vector<16xf32>
        %mul3A_121 = arith.constant 80 : i32
        %mul3A_122 = arith.muli %scan3A_64, %mul3A_121 : i32
        %add3A_123 = arith.constant 16 : i32
        %add3A_124 = arith.addi %mul3A_122, %add3A_123 : i32
        %swap3A_125 = arith.index_cast %add3A_124 : i32 to index
        %swap3A_126 = tpu.vector_load %arg6[%swap3A_125] {strides = array<i32>} : memref<10240xf32, #tpu.memory_space<vmem>>, vector<16xf32>,
        %swap3A_127 = vector.shape_cast %swap3A_126 : vector<16xf32> to vector<16xf32>
        %swap3A_128 = vector.shape_cast %get3A_120 : vector<16xf32> to vector<16xf32>
        tpu.vector_store %arg6[%swap3A_125], %swap3A_128 {strides = array<i32>} : memref<10240xf32, #tpu.memory_space<vmem>>, vector<16xf32>,
        %sub3A_129 = arith.constant 1.000000e+00 : f32
        %sub3A_130 = vector.broadcast %sub3A_129 : f32 to vector<16xf32>
        %sub3A_131 = arith.subf %sub3A_130, %get3A_120 : vector<16xf32>
        %bitcast_convert_type3A_132 = tpu.bitcast %sub3A_131 : vector<16xf32> -> vector<16xi32>
        %shift_right_arithmetic3A_133 = arith.constant 23 : i32
        %shift_right_arithmetic3A_134 = vector.broadcast %shift_right_arithmetic3A_133 : i32 to vector<16xi32>
        %shift_right_arithmetic3A_135 = arith.shrsi %bitcast_convert_type3A_132, %shift_right_arithmetic3A_134 : vector<16xi32>
        %sub3A_136 = arith.constant 127 : i32
        %sub3A_137 = vector.broadcast %sub3A_136 : i32 to vector<16xi32>
        %sub3A_138 = arith.subi %shift_right_arithmetic3A_135, %sub3A_137 : vector<16xi32>
        %and3A_139 = arith.constant 8388607 : i32
        %and3A_140 = vector.broadcast %and3A_139 : i32 to vector<16xi32>
        %and3A_141 = arith.andi %bitcast_convert_type3A_132, %and3A_140 : vector<16xi32>
        %or3A_142 = arith.constant 1065353216 : i32
        %or3A_143 = vector.broadcast %or3A_142 : i32 to vector<16xi32>
        %or3A_144 = arith.ori %and3A_141, %or3A_143 : vector<16xi32>
        %bitcast_convert_type3A_145 = tpu.bitcast %or3A_144 : vector<16xi32> -> vector<16xf32>
        %sub3A_146 = arith.constant 1.000000e+00 : f32
        %sub3A_147 = vector.broadcast %sub3A_146 : f32 to vector<16xf32>
        %sub3A_148 = arith.subf %bitcast_convert_type3A_145, %sub3A_147 : vector<16xf32>
        %mul3A_149 = arith.constant -0.0554593131 : f32
        %mul3A_150 = vector.broadcast %mul3A_149 : f32 to vector<16xf32>
        %mul3A_151 = arith.mulf %mul3A_150, %sub3A_148 : vector<16xf32>
        %add3A_152 = arith.constant 0.218665481 : f32
        %add3A_153 = vector.broadcast %add3A_152 : f32 to vector<16xf32>
        %add3A_154 = arith.addf %mul3A_151, %add3A_153 : vector<16xf32>
        %mul3A_155 = arith.mulf %add3A_154, %sub3A_148 : vector<16xf32>
        %add3A_156 = arith.constant -0.466442436 : f32
        %add3A_157 = vector.broadcast %add3A_156 : f32 to vector<16xf32>
        %add3A_158 = arith.addf %mul3A_155, %add3A_157 : vector<16xf32>
        %mul3A_159 = arith.mulf %add3A_158, %sub3A_148 : vector<16xf32>
        %add3A_160 = arith.constant 0.996261954 : f32
        %add3A_161 = vector.broadcast %add3A_160 : f32 to vector<16xf32>
        %add3A_162 = arith.addf %mul3A_159, %add3A_161 : vector<16xf32>
        %mul3A_163 = arith.mulf %add3A_162, %sub3A_148 : vector<16xf32>
        %add3A_164 = arith.constant 6.94457412E-5 : f32
        %add3A_165 = vector.broadcast %add3A_164 : f32 to vector<16xf32>
        %add3A_166 = arith.addf %mul3A_163, %add3A_165 : vector<16xf32>
        %convert_element_type3A_167 = arith.sitofp %sub3A_138 : vector<16xi32> to vector<16xf32>
        %mul3A_168 = arith.constant 0.693147182 : f32
        %mul3A_169 = vector.broadcast %mul3A_168 : f32 to vector<16xf32>
        %mul3A_170 = arith.mulf %convert_element_type3A_167, %mul3A_169 : vector<16xf32>
        %add3A_171 = arith.addf %mul3A_170, %add3A_166 : vector<16xf32>
        %mul3A_172 = arith.mulf %get3A_120, %get3A_120 : vector<16xf32>
        %mul3A_173 = arith.mulf %add3A_171, %mul3A_172 : vector<16xf32>
        %add3A_174 = arith.addf %add3A_116, %mul3A_173 : vector<16xf32>
        %get3A_175 = arith.index_cast %scan3A_64 : i32 to index
        %get3A_176 = arith.constant 32 : index
        %get3A_177 = tpu.vector_load %arg5[%get3A_175, %get3A_176] {strides = array<i32>} : memref<128x80xf32, #tpu.memory_space<vmem>>, vector<1x16xf32>,
        %get3A_178 = vector.shape_cast %get3A_177 : vector<1x16xf32> to vector<16xf32>
        %mul3A_179 = arith.constant 80 : i32
        %mul3A_180 = arith.muli %scan3A_64, %mul3A_179 : i32
        %add3A_181 = arith.constant 32 : i32
        %add3A_182 = arith.addi %mul3A_180, %add3A_181 : i32
        %swap3A_183 = arith.index_cast %add3A_182 : i32 to index
        %swap3A_184 = tpu.vector_load %arg6[%swap3A_183] {strides = array<i32>} : memref<10240xf32, #tpu.memory_space<vmem>>, vector<16xf32>,
        %swap3A_185 = vector.shape_cast %swap3A_184 : vector<16xf32> to vector<16xf32>
        %swap3A_186 = vector.shape_cast %get3A_178 : vector<16xf32> to vector<16xf32>
        tpu.vector_store %arg6[%swap3A_183], %swap3A_186 {strides = array<i32>} : memref<10240xf32, #tpu.memory_space<vmem>>, vector<16xf32>,
        %sub3A_187 = arith.constant 1.000000e+00 : f32
        %sub3A_188 = vector.broadcast %sub3A_187 : f32 to vector<16xf32>
        %sub3A_189 = arith.subf %sub3A_188, %get3A_178 : vector<16xf32>
        %bitcast_convert_type3A_190 = tpu.bitcast %sub3A_189 : vector<16xf32> -> vector<16xi32>
        %shift_right_arithmetic3A_191 = arith.constant 23 : i32
        %shift_right_arithmetic3A_192 = vector.broadcast %shift_right_arithmetic3A_191 : i32 to vector<16xi32>
        %shift_right_arithmetic3A_193 = arith.shrsi %bitcast_convert_type3A_190, %shift_right_arithmetic3A_192 : vector<16xi32>
        %sub3A_194 = arith.constant 127 : i32
        %sub3A_195 = vector.broadcast %sub3A_194 : i32 to vector<16xi32>
        %sub3A_196 = arith.subi %shift_right_arithmetic3A_193, %sub3A_195 : vector<16xi32>
        %and3A_197 = arith.constant 8388607 : i32
        %and3A_198 = vector.broadcast %and3A_197 : i32 to vector<16xi32>
        %and3A_199 = arith.andi %bitcast_convert_type3A_190, %and3A_198 : vector<16xi32>
        %or3A_200 = arith.constant 1065353216 : i32
        %or3A_201 = vector.broadcast %or3A_200 : i32 to vector<16xi32>
        %or3A_202 = arith.ori %and3A_199, %or3A_201 : vector<16xi32>
        %bitcast_convert_type3A_203 = tpu.bitcast %or3A_202 : vector<16xi32> -> vector<16xf32>
        %sub3A_204 = arith.constant 1.000000e+00 : f32
        %sub3A_205 = vector.broadcast %sub3A_204 : f32 to vector<16xf32>
        %sub3A_206 = arith.subf %bitcast_convert_type3A_203, %sub3A_205 : vector<16xf32>
        %mul3A_207 = arith.constant -0.0554593131 : f32
        %mul3A_208 = vector.broadcast %mul3A_207 : f32 to vector<16xf32>
        %mul3A_209 = arith.mulf %mul3A_208, %sub3A_206 : vector<16xf32>
        %add3A_210 = arith.constant 0.218665481 : f32
        %add3A_211 = vector.broadcast %add3A_210 : f32 to vector<16xf32>
        %add3A_212 = arith.addf %mul3A_209, %add3A_211 : vector<16xf32>
        %mul3A_213 = arith.mulf %add3A_212, %sub3A_206 : vector<16xf32>
        %add3A_214 = arith.constant -0.466442436 : f32
        %add3A_215 = vector.broadcast %add3A_214 : f32 to vector<16xf32>
        %add3A_216 = arith.addf %mul3A_213, %add3A_215 : vector<16xf32>
        %mul3A_217 = arith.mulf %add3A_216, %sub3A_206 : vector<16xf32>
        %add3A_218 = arith.constant 0.996261954 : f32
        %add3A_219 = vector.broadcast %add3A_218 : f32 to vector<16xf32>
        %add3A_220 = arith.addf %mul3A_217, %add3A_219 : vector<16xf32>
        %mul3A_221 = arith.mulf %add3A_220, %sub3A_206 : vector<16xf32>
        %add3A_222 = arith.constant 6.94457412E-5 : f32
        %add3A_223 = vector.broadcast %add3A_222 : f32 to vector<16xf32>
        %add3A_224 = arith.addf %mul3A_221, %add3A_223 : vector<16xf32>
        %convert_element_type3A_225 = arith.sitofp %sub3A_196 : vector<16xi32> to vector<16xf32>
        %mul3A_226 = arith.constant 0.693147182 : f32
        %mul3A_227 = vector.broadcast %mul3A_226 : f32 to vector<16xf32>
        %mul3A_228 = arith.mulf %convert_element_type3A_225, %mul3A_227 : vector<16xf32>
        %add3A_229 = arith.addf %mul3A_228, %add3A_224 : vector<16xf32>
        %mul3A_230 = arith.mulf %get3A_178, %get3A_178 : vector<16xf32>
        %mul3A_231 = arith.mulf %add3A_229, %mul3A_230 : vector<16xf32>
        %add3A_232 = arith.addf %add3A_174, %mul3A_231 : vector<16xf32>
        %get3A_233 = arith.index_cast %scan3A_64 : i32 to index
        %get3A_234 = arith.constant 48 : index
        %get3A_235 = tpu.vector_load %arg5[%get3A_233, %get3A_234] {strides = array<i32>} : memref<128x80xf32, #tpu.memory_space<vmem>>, vector<1x16xf32>,
        %get3A_236 = vector.shape_cast %get3A_235 : vector<1x16xf32> to vector<16xf32>
        %mul3A_237 = arith.constant 80 : i32
        %mul3A_238 = arith.muli %scan3A_64, %mul3A_237 : i32
        %add3A_239 = arith.constant 48 : i32
        %add3A_240 = arith.addi %mul3A_238, %add3A_239 : i32
        %swap3A_241 = arith.index_cast %add3A_240 : i32 to index
        %swap3A_242 = tpu.vector_load %arg6[%swap3A_241] {strides = array<i32>} : memref<10240xf32, #tpu.memory_space<vmem>>, vector<16xf32>,
        %swap3A_243 = vector.shape_cast %swap3A_242 : vector<16xf32> to vector<16xf32>
        %swap3A_244 = vector.shape_cast %get3A_236 : vector<16xf32> to vector<16xf32>
        tpu.vector_store %arg6[%swap3A_241], %swap3A_244 {strides = array<i32>} : memref<10240xf32, #tpu.memory_space<vmem>>, vector<16xf32>,
        %sub3A_245 = arith.constant 1.000000e+00 : f32
        %sub3A_246 = vector.broadcast %sub3A_245 : f32 to vector<16xf32>
        %sub3A_247 = arith.subf %sub3A_246, %get3A_236 : vector<16xf32>
        %bitcast_convert_type3A_248 = tpu.bitcast %sub3A_247 : vector<16xf32> -> vector<16xi32>
        %shift_right_arithmetic3A_249 = arith.constant 23 : i32
        %shift_right_arithmetic3A_250 = vector.broadcast %shift_right_arithmetic3A_249 : i32 to vector<16xi32>
        %shift_right_arithmetic3A_251 = arith.shrsi %bitcast_convert_type3A_248, %shift_right_arithmetic3A_250 : vector<16xi32>
        %sub3A_252 = arith.constant 127 : i32
        %sub3A_253 = vector.broadcast %sub3A_252 : i32 to vector<16xi32>
        %sub3A_254 = arith.subi %shift_right_arithmetic3A_251, %sub3A_253 : vector<16xi32>
        %and3A_255 = arith.constant 8388607 : i32
        %and3A_256 = vector.broadcast %and3A_255 : i32 to vector<16xi32>
        %and3A_257 = arith.andi %bitcast_convert_type3A_248, %and3A_256 : vector<16xi32>
        %or3A_258 = arith.constant 1065353216 : i32
        %or3A_259 = vector.broadcast %or3A_258 : i32 to vector<16xi32>
        %or3A_260 = arith.ori %and3A_257, %or3A_259 : vector<16xi32>
        %bitcast_convert_type3A_261 = tpu.bitcast %or3A_260 : vector<16xi32> -> vector<16xf32>
        %sub3A_262 = arith.constant 1.000000e+00 : f32
        %sub3A_263 = vector.broadcast %sub3A_262 : f32 to vector<16xf32>
        %sub3A_264 = arith.subf %bitcast_convert_type3A_261, %sub3A_263 : vector<16xf32>
        %mul3A_265 = arith.constant -0.0554593131 : f32
        %mul3A_266 = vector.broadcast %mul3A_265 : f32 to vector<16xf32>
        %mul3A_267 = arith.mulf %mul3A_266, %sub3A_264 : vector<16xf32>
        %add3A_268 = arith.constant 0.218665481 : f32
        %add3A_269 = vector.broadcast %add3A_268 : f32 to vector<16xf32>
        %add3A_270 = arith.addf %mul3A_267, %add3A_269 : vector<16xf32>
        %mul3A_271 = arith.mulf %add3A_270, %sub3A_264 : vector<16xf32>
        %add3A_272 = arith.constant -0.466442436 : f32
        %add3A_273 = vector.broadcast %add3A_272 : f32 to vector<16xf32>
        %add3A_274 = arith.addf %mul3A_271, %add3A_273 : vector<16xf32>
        %mul3A_275 = arith.mulf %add3A_274, %sub3A_264 : vector<16xf32>
        %add3A_276 = arith.constant 0.996261954 : f32
        %add3A_277 = vector.broadcast %add3A_276 : f32 to vector<16xf32>
        %add3A_278 = arith.addf %mul3A_275, %add3A_277 : vector<16xf32>
        %mul3A_279 = arith.mulf %add3A_278, %sub3A_264 : vector<16xf32>
        %add3A_280 = arith.constant 6.94457412E-5 : f32
        %add3A_281 = vector.broadcast %add3A_280 : f32 to vector<16xf32>
        %add3A_282 = arith.addf %mul3A_279, %add3A_281 : vector<16xf32>
        %convert_element_type3A_283 = arith.sitofp %sub3A_254 : vector<16xi32> to vector<16xf32>
        %mul3A_284 = arith.constant 0.693147182 : f32
        %mul3A_285 = vector.broadcast %mul3A_284 : f32 to vector<16xf32>
        %mul3A_286 = arith.mulf %convert_element_type3A_283, %mul3A_285 : vector<16xf32>
        %add3A_287 = arith.addf %mul3A_286, %add3A_282 : vector<16xf32>
        %mul3A_288 = arith.mulf %get3A_236, %get3A_236 : vector<16xf32>
        %mul3A_289 = arith.mulf %add3A_287, %mul3A_288 : vector<16xf32>
        %add3A_290 = arith.addf %add3A_232, %mul3A_289 : vector<16xf32>
        %get3A_291 = arith.index_cast %scan3A_64 : i32 to index
        %get3A_292 = arith.constant 64 : index
        %get3A_293 = tpu.vector_load %arg5[%get3A_291, %get3A_292] {strides = array<i32>} : memref<128x80xf32, #tpu.memory_space<vmem>>, vector<1x16xf32>,
        %get3A_294 = vector.shape_cast %get3A_293 : vector<1x16xf32> to vector<16xf32>
        %mul3A_295 = arith.constant 80 : i32
        %mul3A_296 = arith.muli %scan3A_64, %mul3A_295 : i32
        %add3A_297 = arith.constant 64 : i32
        %add3A_298 = arith.addi %mul3A_296, %add3A_297 : i32
        %swap3A_299 = arith.index_cast %add3A_298 : i32 to index
        %swap3A_300 = tpu.vector_load %arg6[%swap3A_299] {strides = array<i32>} : memref<10240xf32, #tpu.memory_space<vmem>>, vector<16xf32>,
        %swap3A_301 = vector.shape_cast %swap3A_300 : vector<16xf32> to vector<16xf32>
        %swap3A_302 = vector.shape_cast %get3A_294 : vector<16xf32> to vector<16xf32>
        tpu.vector_store %arg6[%swap3A_299], %swap3A_302 {strides = array<i32>} : memref<10240xf32, #tpu.memory_space<vmem>>, vector<16xf32>,
        %sub3A_303 = arith.constant 1.000000e+00 : f32
        %sub3A_304 = vector.broadcast %sub3A_303 : f32 to vector<16xf32>
        %sub3A_305 = arith.subf %sub3A_304, %get3A_294 : vector<16xf32>
        %bitcast_convert_type3A_306 = tpu.bitcast %sub3A_305 : vector<16xf32> -> vector<16xi32>
        %shift_right_arithmetic3A_307 = arith.constant 23 : i32
        %shift_right_arithmetic3A_308 = vector.broadcast %shift_right_arithmetic3A_307 : i32 to vector<16xi32>
        %shift_right_arithmetic3A_309 = arith.shrsi %bitcast_convert_type3A_306, %shift_right_arithmetic3A_308 : vector<16xi32>
        %sub3A_310 = arith.constant 127 : i32
        %sub3A_311 = vector.broadcast %sub3A_310 : i32 to vector<16xi32>
        %sub3A_312 = arith.subi %shift_right_arithmetic3A_309, %sub3A_311 : vector<16xi32>
        %and3A_313 = arith.constant 8388607 : i32
        %and3A_314 = vector.broadcast %and3A_313 : i32 to vector<16xi32>
        %and3A_315 = arith.andi %bitcast_convert_type3A_306, %and3A_314 : vector<16xi32>
        %or3A_316 = arith.constant 1065353216 : i32
        %or3A_317 = vector.broadcast %or3A_316 : i32 to vector<16xi32>
        %or3A_318 = arith.ori %and3A_315, %or3A_317 : vector<16xi32>
        %bitcast_convert_type3A_319 = tpu.bitcast %or3A_318 : vector<16xi32> -> vector<16xf32>
        %sub3A_320 = arith.constant 1.000000e+00 : f32
        %sub3A_321 = vector.broadcast %sub3A_320 : f32 to vector<16xf32>
        %sub3A_322 = arith.subf %bitcast_convert_type3A_319, %sub3A_321 : vector<16xf32>
        %mul3A_323 = arith.constant -0.0554593131 : f32
        %mul3A_324 = vector.broadcast %mul3A_323 : f32 to vector<16xf32>
        %mul3A_325 = arith.mulf %mul3A_324, %sub3A_322 : vector<16xf32>
        %add3A_326 = arith.constant 0.218665481 : f32
        %add3A_327 = vector.broadcast %add3A_326 : f32 to vector<16xf32>
        %add3A_328 = arith.addf %mul3A_325, %add3A_327 : vector<16xf32>
        %mul3A_329 = arith.mulf %add3A_328, %sub3A_322 : vector<16xf32>
        %add3A_330 = arith.constant -0.466442436 : f32
        %add3A_331 = vector.broadcast %add3A_330 : f32 to vector<16xf32>
        %add3A_332 = arith.addf %mul3A_329, %add3A_331 : vector<16xf32>
        %mul3A_333 = arith.mulf %add3A_332, %sub3A_322 : vector<16xf32>
        %add3A_334 = arith.constant 0.996261954 : f32
        %add3A_335 = vector.broadcast %add3A_334 : f32 to vector<16xf32>
        %add3A_336 = arith.addf %mul3A_333, %add3A_335 : vector<16xf32>
        %mul3A_337 = arith.mulf %add3A_336, %sub3A_322 : vector<16xf32>
        %add3A_338 = arith.constant 6.94457412E-5 : f32
        %add3A_339 = vector.broadcast %add3A_338 : f32 to vector<16xf32>
        %add3A_340 = arith.addf %mul3A_337, %add3A_339 : vector<16xf32>
        %convert_element_type3A_341 = arith.sitofp %sub3A_312 : vector<16xi32> to vector<16xf32>
        %mul3A_342 = arith.constant 0.693147182 : f32
        %mul3A_343 = vector.broadcast %mul3A_342 : f32 to vector<16xf32>
        %mul3A_344 = arith.mulf %convert_element_type3A_341, %mul3A_343 : vector<16xf32>
        %add3A_345 = arith.addf %mul3A_344, %add3A_340 : vector<16xf32>
        %mul3A_346 = arith.mulf %get3A_294, %get3A_294 : vector<16xf32>
        %mul3A_347 = arith.mulf %add3A_345, %mul3A_346 : vector<16xf32>
        %add3A_348 = arith.addf %add3A_290, %mul3A_347 : vector<16xf32>
        scf.yield %add3A_348 : vector<16xf32>
      }
      %scan3A_45 = arith.constant 128 : i32
      %mul3A_46 = arith.constant 10240 : i32
      %mul3A_47 = arith.muli %arg1, %mul3A_46 : i32
      "tpu.region"() ({
        %run_scoped3A = tpu.sem_alloc : memref<!tpu.dma_semaphore, #tpu.memory_space<semaphore_mem>>
        %dma_start3A_64 = tpu.memref_slice %arg10[%mul3A_47] : memref<163840xf32, #tpu.memory_space<vmem_shared>> -> memref<10240xf32, #tpu.memory_space<vmem_shared>>
        %dma_start3A_65 = tpu.memref_slice %arg10[%mul3A_47] : memref<163840xf32, #tpu.memory_space<vmem_shared>> -> memref<10240xf32, #tpu.memory_space<vmem_shared>>
        tpu.enqueue_dma source(%arg6 : memref<10240xf32, #tpu.memory_space<vmem>>) target(%dma_start3A_65 : memref<10240xf32, #tpu.memory_space<vmem_shared>>) target_semaphore(%run_scoped3A : memref<!tpu.dma_semaphore, #tpu.memory_space<semaphore_mem>>)
        %dma_wait3A_66 = tpu.memref_slice %arg10[%mul3A_47] : memref<163840xf32, #tpu.memory_space<vmem_shared>> -> memref<10240xf32, #tpu.memory_space<vmem_shared>>
        %dma_wait3A_67 = tpu.memref_slice %arg10[%mul3A_47] : memref<163840xf32, #tpu.memory_space<vmem_shared>> -> memref<10240xf32, #tpu.memory_space<vmem_shared>>
        tpu.wait_dma2 semaphore(%run_scoped3A : memref<!tpu.dma_semaphore, #tpu.memory_space<semaphore_mem>>) src(%arg6 : memref<10240xf32, #tpu.memory_space<vmem>>) dst(%dma_wait3A_67 : memref<10240xf32, #tpu.memory_space<vmem_shared>>)
        tpu.yield
      }) : () -> ()
      %scan3A_48 = arith.constant 0 : i32
      %scan3A_49 = arith.constant 0 : i32
      %scan3A_50 = arith.constant 8 : i32
      %scan3A_51 = arith.addi %scan3A_49, %scan3A_50 : i32
      %scan3A_52 = arith.constant 1 : i32
      scf.for %scan3A_64 = %scan3A_49 to %scan3A_51 step %scan3A_52  : i32 {
        %mul3A_65 = arith.constant 128 : i32
        %mul3A_66 = arith.muli %scan3A_24, %mul3A_65 : i32
        %mul3A_67 = arith.constant 16 : i32
        %mul3A_68 = arith.muli %scan3A_64, %mul3A_67 : i32
        %add3A_69 = arith.addi %mul3A_66, %mul3A_68 : i32
        %get3A = arith.constant 0 : i32
        %get3A_70 = arith.index_cast %get3A : i32 to index
        %get3A_71 = arith.index_cast %add3A_69 : i32 to index
        %get3A_72 = tpu.vector_load %arg7[%get3A_70, %get3A_71] {strides = array<i32>} : memref<3x1280xf32, #tpu.memory_space<vmem>>, vector<1x16xf32>,
        %get3A_73 = vector.shape_cast %get3A_72 : vector<1x16xf32> to vector<16xf32>
        %jit3A = arith.constant 0.000000e+00 : f32
        %jit3A_74 = arith.constant 7.900000e+01 : f32
        %max3A = vector.broadcast %jit3A : f32 to vector<16xf32>
        %max3A_75 = arith.maximumf %max3A, %get3A_73 : vector<16xf32>
        %min3A = vector.broadcast %jit3A_74 : f32 to vector<16xf32>
        %min3A_76 = arith.minimumf %min3A, %max3A_75 : vector<16xf32>
        %convert_element_type3A = arith.fptosi %min3A_76 : vector<16xf32> to vector<16xi32>
        %mul3A_77 = arith.constant 16 : i32
        %mul3A_78 = arith.muli %scan3A_64, %mul3A_77 : i32
        %add3A_79 = vector.broadcast %mul3A_78 : i32 to vector<16xi32>
        %add3A_80 = arith.addi %add3A_79, %iota3A : vector<16xi32>
        %mul3A_81 = arith.constant 10240 : i32
        %mul3A_82 = arith.muli %arg1, %mul3A_81 : i32
        %mul3A_83 = arith.constant 80 : i32
        %mul3A_84 = vector.broadcast %mul3A_83 : i32 to vector<16xi32>
        %mul3A_85 = arith.muli %add3A_80, %mul3A_84 : vector<16xi32>
        %add3A_86 = vector.broadcast %mul3A_82 : i32 to vector<16xi32>
        %add3A_87 = arith.addi %add3A_86, %mul3A_85 : vector<16xi32>
        %add3A_88 = arith.addi %add3A_87, %convert_element_type3A : vector<16xi32>
        %mul3A_89 = arith.constant 16 : i32
        %mul3A_90 = arith.muli %scan3A_64, %mul3A_89 : i32
        %swap3A_91 = arith.index_cast %mul3A_90 : i32 to index
        %swap3A_92 = tpu.vector_load %arg8[%swap3A_91] {strides = array<i32>} : memref<128xi32, #tpu.memory_space<vmem>>, vector<16xi32>,
        %swap3A_93 = vector.shape_cast %swap3A_92 : vector<16xi32> to vector<16xi32>
        %swap3A_94 = vector.shape_cast %add3A_88 : vector<16xi32> to vector<16xi32>
        tpu.vector_store %arg8[%swap3A_91], %swap3A_94 {strides = array<i32>} : memref<128xi32, #tpu.memory_space<vmem>>, vector<16xi32>,
      }
      %scan3A_53 = arith.constant 8 : i32
      %dma_start3A_54 = arith.constant 0 : i32
      %dma_start3A_55 = tpu.memref_slice %arg10[%dma_start3A_54] : memref<163840xf32, #tpu.memory_space<vmem_shared>> -> memref<163840xf32, #tpu.memory_space<vmem_shared>>
      tpu.enqueue_indirect_dma source(%dma_start3A_55 : memref<163840xf32, #tpu.memory_space<vmem_shared>>) target(%arg9 : memref<128xf32, #tpu.memory_space<vmem>>) offsets(%arg8 : memref<128xi32, #tpu.memory_space<vmem>>) semaphore(%arg14 : memref<!tpu.dma_semaphore, #tpu.memory_space<semaphore_mem>>)
      %dma_wait3A_56 = arith.constant 0 : i32
      %dma_wait3A_57 = tpu.memref_slice %arg10[%dma_wait3A_56] : memref<163840xf32, #tpu.memory_space<vmem_shared>> -> memref<163840xf32, #tpu.memory_space<vmem_shared>>
      tpu.wait_indirect_dma semaphore(%arg14 : memref<!tpu.dma_semaphore, #tpu.memory_space<semaphore_mem>>) src(%dma_wait3A_57 : memref<163840xf32, #tpu.memory_space<vmem_shared>>) dst(%arg9 : memref<128xf32, #tpu.memory_space<vmem>>)
      %scan3A_58 = arith.constant 0 : i32
      %scan3A_59 = arith.constant 8 : i32
      %scan3A_60 = arith.addi %scan3A_58, %scan3A_59 : i32
      %scan3A_61 = arith.constant 1 : i32
      %scan3A_62 = scf.for %scan3A_64 = %scan3A_58 to %scan3A_60 step %scan3A_61 iter_args(%scan3A_65 = %scan3A_26) -> (vector<16xf32>)  : i32 {
        %mul3A_66 = arith.constant 128 : i32
        %mul3A_67 = arith.muli %scan3A_24, %mul3A_66 : i32
        %mul3A_68 = arith.constant 16 : i32
        %mul3A_69 = arith.muli %scan3A_64, %mul3A_68 : i32
        %add3A_70 = arith.addi %mul3A_67, %mul3A_69 : i32
        %get3A = arith.constant 0 : i32
        %get3A_71 = arith.index_cast %get3A : i32 to index
        %get3A_72 = arith.index_cast %add3A_70 : i32 to index
        %get3A_73 = tpu.vector_load %arg7[%get3A_71, %get3A_72] {strides = array<i32>} : memref<3x1280xf32, #tpu.memory_space<vmem>>, vector<1x16xf32>,
        %get3A_74 = vector.shape_cast %get3A_73 : vector<1x16xf32> to vector<16xf32>
        %get3A_75 = arith.constant 1 : i32
        %get3A_76 = arith.index_cast %get3A_75 : i32 to index
        %get3A_77 = arith.index_cast %add3A_70 : i32 to index
        %get3A_78 = tpu.vector_load %arg7[%get3A_76, %get3A_77] {strides = array<i32>} : memref<3x1280xf32, #tpu.memory_space<vmem>>, vector<1x16xf32>,
        %get3A_79 = vector.shape_cast %get3A_78 : vector<1x16xf32> to vector<16xf32>
        %get3A_80 = arith.constant 2 : i32
        %get3A_81 = arith.index_cast %get3A_80 : i32 to index
        %get3A_82 = arith.index_cast %add3A_70 : i32 to index
        %get3A_83 = tpu.vector_load %arg7[%get3A_81, %get3A_82] {strides = array<i32>} : memref<3x1280xf32, #tpu.memory_space<vmem>>, vector<1x16xf32>,
        %get3A_84 = vector.shape_cast %get3A_83 : vector<1x16xf32> to vector<16xf32>
        %ge3A = arith.constant 0.000000e+00 : f32
        %ge3A_85 = vector.broadcast %ge3A : f32 to vector<16xf32>
        %ge3A_86 = arith.cmpf oge, %get3A_74, %ge3A_85 : vector<16xf32>
        %lt3A = arith.constant 8.000000e+01 : f32
        %lt3A_87 = vector.broadcast %lt3A : f32 to vector<16xf32>
        %lt3A_88 = arith.cmpf olt, %get3A_74, %lt3A_87 : vector<16xf32>
        %and3A = arith.andi %ge3A_86, %lt3A_88 : vector<16xi1>
        %mul3A_89 = arith.constant 16 : i32
        %mul3A_90 = arith.muli %scan3A_64, %mul3A_89 : i32
        %get3A_91 = arith.index_cast %mul3A_90 : i32 to index
        %get3A_92 = tpu.vector_load %arg9[%get3A_91] {strides = array<i32>} : memref<128xf32, #tpu.memory_space<vmem>>, vector<16xf32>,
        %get3A_93 = vector.shape_cast %get3A_92 : vector<16xf32> to vector<16xf32>
        %bitcast_convert_type3A = tpu.bitcast %get3A_93 : vector<16xf32> -> vector<16xi32>
        %shift_right_arithmetic3A = arith.constant 23 : i32
        %shift_right_arithmetic3A_94 = vector.broadcast %shift_right_arithmetic3A : i32 to vector<16xi32>
        %shift_right_arithmetic3A_95 = arith.shrsi %bitcast_convert_type3A, %shift_right_arithmetic3A_94 : vector<16xi32>
        %sub3A = arith.constant 127 : i32
        %sub3A_96 = vector.broadcast %sub3A : i32 to vector<16xi32>
        %sub3A_97 = arith.subi %shift_right_arithmetic3A_95, %sub3A_96 : vector<16xi32>
        %and3A_98 = arith.constant 8388607 : i32
        %and3A_99 = vector.broadcast %and3A_98 : i32 to vector<16xi32>
        %and3A_100 = arith.andi %bitcast_convert_type3A, %and3A_99 : vector<16xi32>
        %or3A = arith.constant 1065353216 : i32
        %or3A_101 = vector.broadcast %or3A : i32 to vector<16xi32>
        %or3A_102 = arith.ori %and3A_100, %or3A_101 : vector<16xi32>
        %bitcast_convert_type3A_103 = tpu.bitcast %or3A_102 : vector<16xi32> -> vector<16xf32>
        %sub3A_104 = arith.constant 1.000000e+00 : f32
        %sub3A_105 = vector.broadcast %sub3A_104 : f32 to vector<16xf32>
        %sub3A_106 = arith.subf %bitcast_convert_type3A_103, %sub3A_105 : vector<16xf32>
        %mul3A_107 = arith.constant -0.0554593131 : f32
        %mul3A_108 = vector.broadcast %mul3A_107 : f32 to vector<16xf32>
        %mul3A_109 = arith.mulf %mul3A_108, %sub3A_106 : vector<16xf32>
        %add3A_110 = arith.constant 0.218665481 : f32
        %add3A_111 = vector.broadcast %add3A_110 : f32 to vector<16xf32>
        %add3A_112 = arith.addf %mul3A_109, %add3A_111 : vector<16xf32>
        %mul3A_113 = arith.mulf %add3A_112, %sub3A_106 : vector<16xf32>
        %add3A_114 = arith.constant -0.466442436 : f32
        %add3A_115 = vector.broadcast %add3A_114 : f32 to vector<16xf32>
        %add3A_116 = arith.addf %mul3A_113, %add3A_115 : vector<16xf32>
        %mul3A_117 = arith.mulf %add3A_116, %sub3A_106 : vector<16xf32>
        %add3A_118 = arith.constant 0.996261954 : f32
        %add3A_119 = vector.broadcast %add3A_118 : f32 to vector<16xf32>
        %add3A_120 = arith.addf %mul3A_117, %add3A_119 : vector<16xf32>
        %mul3A_121 = arith.mulf %add3A_120, %sub3A_106 : vector<16xf32>
        %add3A_122 = arith.constant 6.94457412E-5 : f32
        %add3A_123 = vector.broadcast %add3A_122 : f32 to vector<16xf32>
        %add3A_124 = arith.addf %mul3A_121, %add3A_123 : vector<16xf32>
        %convert_element_type3A = arith.sitofp %sub3A_97 : vector<16xi32> to vector<16xf32>
        %mul3A_125 = arith.constant 0.693147182 : f32
        %mul3A_126 = vector.broadcast %mul3A_125 : f32 to vector<16xf32>
        %mul3A_127 = arith.mulf %convert_element_type3A, %mul3A_126 : vector<16xf32>
        %add3A_128 = arith.addf %mul3A_127, %add3A_124 : vector<16xf32>
        %sub3A_129 = arith.constant 1.000000e+00 : f32
        %sub3A_130 = vector.broadcast %sub3A_129 : f32 to vector<16xf32>
        %sub3A_131 = arith.subf %sub3A_130, %get3A_93 : vector<16xf32>
        %bitcast_convert_type3A_132 = tpu.bitcast %sub3A_131 : vector<16xf32> -> vector<16xi32>
        %shift_right_arithmetic3A_133 = arith.constant 23 : i32
        %shift_right_arithmetic3A_134 = vector.broadcast %shift_right_arithmetic3A_133 : i32 to vector<16xi32>
        %shift_right_arithmetic3A_135 = arith.shrsi %bitcast_convert_type3A_132, %shift_right_arithmetic3A_134 : vector<16xi32>
        %sub3A_136 = arith.constant 127 : i32
        %sub3A_137 = vector.broadcast %sub3A_136 : i32 to vector<16xi32>
        %sub3A_138 = arith.subi %shift_right_arithmetic3A_135, %sub3A_137 : vector<16xi32>
        %and3A_139 = arith.constant 8388607 : i32
        %and3A_140 = vector.broadcast %and3A_139 : i32 to vector<16xi32>
        %and3A_141 = arith.andi %bitcast_convert_type3A_132, %and3A_140 : vector<16xi32>
        %or3A_142 = arith.constant 1065353216 : i32
        %or3A_143 = vector.broadcast %or3A_142 : i32 to vector<16xi32>
        %or3A_144 = arith.ori %and3A_141, %or3A_143 : vector<16xi32>
        %bitcast_convert_type3A_145 = tpu.bitcast %or3A_144 : vector<16xi32> -> vector<16xf32>
        %sub3A_146 = arith.constant 1.000000e+00 : f32
        %sub3A_147 = vector.broadcast %sub3A_146 : f32 to vector<16xf32>
        %sub3A_148 = arith.subf %bitcast_convert_type3A_145, %sub3A_147 : vector<16xf32>
        %mul3A_149 = arith.constant -0.0554593131 : f32
        %mul3A_150 = vector.broadcast %mul3A_149 : f32 to vector<16xf32>
        %mul3A_151 = arith.mulf %mul3A_150, %sub3A_148 : vector<16xf32>
        %add3A_152 = arith.constant 0.218665481 : f32
        %add3A_153 = vector.broadcast %add3A_152 : f32 to vector<16xf32>
        %add3A_154 = arith.addf %mul3A_151, %add3A_153 : vector<16xf32>
        %mul3A_155 = arith.mulf %add3A_154, %sub3A_148 : vector<16xf32>
        %add3A_156 = arith.constant -0.466442436 : f32
        %add3A_157 = vector.broadcast %add3A_156 : f32 to vector<16xf32>
        %add3A_158 = arith.addf %mul3A_155, %add3A_157 : vector<16xf32>
        %mul3A_159 = arith.mulf %add3A_158, %sub3A_148 : vector<16xf32>
        %add3A_160 = arith.constant 0.996261954 : f32
        %add3A_161 = vector.broadcast %add3A_160 : f32 to vector<16xf32>
        %add3A_162 = arith.addf %mul3A_159, %add3A_161 : vector<16xf32>
        %mul3A_163 = arith.mulf %add3A_162, %sub3A_148 : vector<16xf32>
        %add3A_164 = arith.constant 6.94457412E-5 : f32
        %add3A_165 = vector.broadcast %add3A_164 : f32 to vector<16xf32>
        %add3A_166 = arith.addf %mul3A_163, %add3A_165 : vector<16xf32>
        %convert_element_type3A_167 = arith.sitofp %sub3A_138 : vector<16xi32> to vector<16xf32>
        %mul3A_168 = arith.constant 0.693147182 : f32
        %mul3A_169 = vector.broadcast %mul3A_168 : f32 to vector<16xf32>
        %mul3A_170 = arith.mulf %convert_element_type3A_167, %mul3A_169 : vector<16xf32>
        %add3A_171 = arith.addf %mul3A_170, %add3A_166 : vector<16xf32>
        %sub3A_172 = arith.subf %add3A_128, %add3A_171 : vector<16xf32>
        %mul3A_173 = arith.mulf %sub3A_172, %get3A_79 : vector<16xf32>
        %add3A_174 = arith.addf %mul3A_173, %add3A_171 : vector<16xf32>
        %neg3A = arith.constant 0.000000e+00 : f32
        %neg3A_175 = vector.broadcast %neg3A : f32 to vector<16xf32>
        %neg3A_176 = arith.subf %neg3A_175, %add3A_174 : vector<16xf32>
        %mul3A_177 = arith.mulf %neg3A_176, %get3A_84 : vector<16xf32>
        %mul3A_178 = arith.mulf %get3A_93, %get3A_93 : vector<16xf32>
        %mul3A_179 = arith.mulf %add3A_171, %mul3A_178 : vector<16xf32>
        %mul3A_180 = arith.constant -7.500000e-01 : f32
        %mul3A_181 = vector.broadcast %mul3A_180 : f32 to vector<16xf32>
        %mul3A_182 = arith.mulf %mul3A_179, %mul3A_181 : vector<16xf32>
        %sub3A_183 = arith.subf %mul3A_177, %mul3A_182 : vector<16xf32>
        %jit3A = arith.constant 0.000000e+00 : f32
        %broadcast_in_dim3A_184 = vector.broadcast %jit3A : f32 to vector<16xf32>
        %select_n3A = arith.select %and3A, %sub3A_183, %broadcast_in_dim3A_184 : vector<16xi1>, vector<16xf32>
        %add3A_185 = arith.addf %scan3A_65, %select_n3A : vector<16xf32>
        scf.yield %add3A_185 : vector<16xf32>
      }
      %scan3A_63 = arith.constant 8 : i32
      scf.yield %scan3A_44, %scan3A_62 : vector<16xf32>, vector<16xf32>
    }
    %scan3A_16 = arith.constant 10 : i32
    %mul3A_17 = arith.constant -7.500000e-01 : f32
    %mul3A_18 = vector.broadcast %mul3A_17 : f32 to vector<16xf32>
    %mul3A_19 = arith.mulf %scan3A_15#0, %mul3A_18 : vector<16xf32>
    %add3A_20 = arith.addf %mul3A_19, %scan3A_15#1 : vector<16xf32>
    %swap3A = arith.constant 0 : index
    %swap3A_21 = tpu.vector_load %arg11[%swap3A] {strides = array<i32>} : memref<16xf32, #tpu.memory_space<vmem>>, vector<16xf32>,
    %swap3A_22 = vector.shape_cast %swap3A_21 : vector<16xf32> to vector<16xf32>
    %swap3A_23 = vector.shape_cast %add3A_20 : vector<16xf32> to vector<16xf32>
    tpu.vector_store %arg11[%swap3A], %swap3A_23 {strides = array<i32>} : memref<16xf32, #tpu.memory_space<vmem>>, vector<16xf32>,
    "tpu.region"() ({
      %run_scoped3A = tpu.sem_alloc : memref<!tpu.dma_semaphore, #tpu.memory_space<semaphore_mem>>
      %dma_start3A_24 = arith.constant 0 : i32
      %dma_start3A_25 = tpu.memref_slice %arg4[%add3A, %dma_start3A_24] : memref<32x16xf32, #tpu.memory_space<hbm>> -> memref<1x16xf32, #tpu.memory_space<hbm>>
      %dma_start3A_26 = tpu.memref_squeeze %dma_start3A_25 : memref<1x16xf32, #tpu.memory_space<hbm>> -> memref<16xf32, #tpu.memory_space<hbm>>
      %dma_start3A_27 = arith.constant 0 : i32
      %dma_start3A_28 = tpu.memref_slice %arg4[%add3A, %dma_start3A_27] : memref<32x16xf32, #tpu.memory_space<hbm>> -> memref<1x16xf32, #tpu.memory_space<hbm>>
      %dma_start3A_29 = tpu.memref_squeeze %dma_start3A_28 : memref<1x16xf32, #tpu.memory_space<hbm>> -> memref<16xf32, #tpu.memory_space<hbm>>
      tpu.enqueue_dma source(%arg11 : memref<16xf32, #tpu.memory_space<vmem>>) target(%dma_start3A_29 : memref<16xf32, #tpu.memory_space<hbm>>) target_semaphore(%run_scoped3A : memref<!tpu.dma_semaphore, #tpu.memory_space<semaphore_mem>>)
      %dma_wait3A_30 = arith.constant 0 : i32
      %dma_wait3A_31 = tpu.memref_slice %arg4[%add3A, %dma_wait3A_30] : memref<32x16xf32, #tpu.memory_space<hbm>> -> memref<1x16xf32, #tpu.memory_space<hbm>>
      %dma_wait3A_32 = tpu.memref_squeeze %dma_wait3A_31 : memref<1x16xf32, #tpu.memory_space<hbm>> -> memref<16xf32, #tpu.memory_space<hbm>>
      %dma_wait3A_33 = arith.constant 0 : i32
      %dma_wait3A_34 = tpu.memref_slice %arg4[%add3A, %dma_wait3A_33] : memref<32x16xf32, #tpu.memory_space<hbm>> -> memref<1x16xf32, #tpu.memory_space<hbm>>
      %dma_wait3A_35 = tpu.memref_squeeze %dma_wait3A_34 : memref<1x16xf32, #tpu.memory_space<hbm>> -> memref<16xf32, #tpu.memory_space<hbm>>
      tpu.wait_dma2 semaphore(%run_scoped3A : memref<!tpu.dma_semaphore, #tpu.memory_space<semaphore_mem>>) src(%arg11 : memref<16xf32, #tpu.memory_space<vmem>>) dst(%dma_wait3A_35 : memref<16xf32, #tpu.memory_space<hbm>>)
      tpu.yield
    }) : () -> ()
    return
  }
}

module attributes {stable_mosaic.version = 14 : i64} {
  func.func @_tc_body(%arg0: i32, %arg1: memref<4000x80xf32, #tpu.memory_space<vmem>>, %arg2: memref<1x3x4000xf32, #tpu.memory_space<vmem>>, %arg3: memref<1x1xf32, #tpu.memory_space<smem>>, %arg4: memref<8x80xf32, #tpu.memory_space<vmem>>) attributes {dimension_semantics = [#tpu.dimension_semantics<arbitrary>], iteration_bounds = array<i64: 15>, scalar_prefetch = 0 : i64, scratch_operands = 1 : i64, tpu.core_type = #tpu.core_type<tc>, window_params = [{transform_indices = @transform_0, window_bounds = array<i64: 4000, 80>}, {transform_indices = @transform_1, window_bounds = array<i64: 1, 3, 4000>}, {transform_indices = @transform_2, window_bounds = array<i64: 1, 1>}]} {
    %get3A = arith.constant 0 : index
    %get3A_0 = arith.constant 0 : index
    %get3A_1 = vector.load %arg1[%get3A, %get3A_0] : memref<4000x80xf32, #tpu.memory_space<vmem>>, vector<4000x80xf32>
    %get3A_2 = arith.constant 0 : index
    %get3A_3 = arith.constant 0 : index
    %get3A_4 = arith.constant 0 : index
    %get3A_5 = vector.load %arg2[%get3A_2, %get3A_3, %get3A_4] : memref<1x3x4000xf32, #tpu.memory_space<vmem>>, vector<1x1x4000xf32>
    %get3A_6 = vector.shape_cast %get3A_5 : vector<1x1x4000xf32> to vector<1x4000xf32>
    %get3A_7 = arith.constant 0 : index
    %get3A_8 = arith.constant 1 : index
    %get3A_9 = arith.constant 0 : index
    %get3A_10 = vector.load %arg2[%get3A_7, %get3A_8, %get3A_9] : memref<1x3x4000xf32, #tpu.memory_space<vmem>>, vector<1x1x4000xf32>
    %get3A_11 = vector.shape_cast %get3A_10 : vector<1x1x4000xf32> to vector<1x4000xf32>
    %get3A_12 = arith.constant 0 : index
    %get3A_13 = arith.constant 2 : index
    %get3A_14 = arith.constant 0 : index
    %get3A_15 = vector.load %arg2[%get3A_12, %get3A_13, %get3A_14] : memref<1x3x4000xf32, #tpu.memory_space<vmem>>, vector<1x1x4000xf32>
    %get3A_16 = vector.shape_cast %get3A_15 : vector<1x1x4000xf32> to vector<1x4000xf32>
    %ge3A = arith.constant 0.000000e+00 : f32
    %ge3A_17 = vector.broadcast %ge3A : f32 to vector<1x4000xf32>
    %ge3A_18 = arith.cmpf oge, %get3A_6, %ge3A_17 : vector<1x4000xf32>
    %lt3A = arith.constant 8.000000e+01 : f32
    %lt3A_19 = vector.broadcast %lt3A : f32 to vector<1x4000xf32>
    %lt3A_20 = arith.cmpf olt, %get3A_6, %lt3A_19 : vector<1x4000xf32>
    %and3A = arith.andi %ge3A_18, %lt3A_20 : vector<1x4000xi1>
    %jit3A = arith.constant -1.000000e+00 : f32
    %broadcast_in_dim3A = vector.broadcast %jit3A : f32 to vector<1x4000xf32>
    %select_n3A = arith.select %and3A, %get3A_6, %broadcast_in_dim3A : vector<1x4000xi1>, vector<1x4000xf32>
    %log3A = math.log %get3A_1 : vector<4000x80xf32>
    %max3A = arith.constant -1.000000e+02 : f32
    %max3A_21 = vector.broadcast %max3A : f32 to vector<4000x80xf32>
    %max3A_22 = arith.maximumf %log3A, %max3A_21 : vector<4000x80xf32>
    %sub3A = arith.constant 1.000000e+00 : f32
    %sub3A_23 = vector.broadcast %sub3A : f32 to vector<4000x80xf32>
    %sub3A_24 = arith.subf %sub3A_23, %get3A_1 : vector<4000x80xf32>
    %log3A_25 = math.log %sub3A_24 : vector<4000x80xf32>
    %max3A_26 = arith.constant -1.000000e+02 : f32
    %max3A_27 = vector.broadcast %max3A_26 : f32 to vector<4000x80xf32>
    %max3A_28 = arith.maximumf %log3A_25, %max3A_27 : vector<4000x80xf32>
    %mul3A = arith.mulf %get3A_1, %get3A_1 : vector<4000x80xf32>
    %mul3A_29 = arith.mulf %max3A_28, %mul3A : vector<4000x80xf32>
    %mul3A_30 = arith.constant -7.500000e-01 : f32
    %mul3A_31 = vector.broadcast %mul3A_30 : f32 to vector<4000x80xf32>
    %mul3A_32 = arith.mulf %mul3A_29, %mul3A_31 : vector<4000x80xf32>
    %iota3A = tpu.iota {dimensions = array<i32: 0>} : vector<80x4000xi32>
    %convert_element_type3A = arith.sitofp %iota3A : vector<80x4000xi32> to vector<80x4000xf32>
    %eq3A = vector.broadcast %select_n3A : vector<1x4000xf32> to vector<80x4000xf32>
    %eq3A_33 = arith.cmpf oeq, %convert_element_type3A, %eq3A : vector<80x4000xf32>
    %mul3A_34 = arith.mulf %get3A_16, %get3A_11 : vector<1x4000xf32>
    %neg3A = arith.constant 0.000000e+00 : f32
    %neg3A_35 = vector.broadcast %neg3A : f32 to vector<1x4000xf32>
    %neg3A_36 = arith.subf %neg3A_35, %mul3A_34 : vector<1x4000xf32>
    %jit3A_37 = arith.constant 0.000000e+00 : f32
    %broadcast_in_dim3A_38 = vector.shape_cast %neg3A_36 : vector<1x4000xf32> to vector<1x4000xf32>
    %broadcast_in_dim3A_39 = vector.broadcast %broadcast_in_dim3A_38 : vector<1x4000xf32> to vector<80x4000xf32>
    %broadcast_in_dim3A_40 = vector.broadcast %jit3A_37 : f32 to vector<80x4000xf32>
    %select_n3A_41 = arith.select %eq3A_33, %broadcast_in_dim3A_39, %broadcast_in_dim3A_40 : vector<80x4000xi1>, vector<80x4000xf32>
    %sub3A_42 = arith.constant 1.000000e+00 : f32
    %sub3A_43 = vector.broadcast %sub3A_42 : f32 to vector<1x4000xf32>
    %sub3A_44 = arith.subf %sub3A_43, %get3A_11 : vector<1x4000xf32>
    %mul3A_45 = arith.mulf %get3A_16, %sub3A_44 : vector<1x4000xf32>
    %neg3A_46 = arith.constant 0.000000e+00 : f32
    %neg3A_47 = vector.broadcast %neg3A_46 : f32 to vector<1x4000xf32>
    %neg3A_48 = arith.subf %neg3A_47, %mul3A_45 : vector<1x4000xf32>
    %jit3A_49 = arith.constant 0.000000e+00 : f32
    %broadcast_in_dim3A_50 = vector.shape_cast %neg3A_48 : vector<1x4000xf32> to vector<1x4000xf32>
    %broadcast_in_dim3A_51 = vector.broadcast %broadcast_in_dim3A_50 : vector<1x4000xf32> to vector<80x4000xf32>
    %broadcast_in_dim3A_52 = vector.broadcast %jit3A_49 : f32 to vector<80x4000xf32>
    %select_n3A_53 = arith.select %eq3A_33, %broadcast_in_dim3A_51, %broadcast_in_dim3A_52 : vector<80x4000xi1>, vector<80x4000xf32>
    %jit3A_54 = arith.constant -1.000000e+00 : f32
    %jit3A_55 = arith.constant 0.000000e+00 : f32
    %broadcast_in_dim3A_56 = vector.broadcast %jit3A_54 : f32 to vector<80x4000xf32>
    %broadcast_in_dim3A_57 = vector.broadcast %jit3A_55 : f32 to vector<80x4000xf32>
    %select_n3A_58 = arith.select %eq3A_33, %broadcast_in_dim3A_56, %broadcast_in_dim3A_57 : vector<80x4000xi1>, vector<80x4000xf32>
    %dot_general3A = arith.constant dense<0.000000e+00> : vector<80x80xf32>
    %dot_general3A_59 = tpu.matmul %select_n3A_41, %max3A_22, %dot_general3A {dimension_numbers = #tpu.dot_dimension_numbers<[1], [0], [0], [1], [0, 0, 1, 1], [], []>, transpose_lhs_hint = false} : vector<80x4000xf32>, vector<4000x80xf32>, vector<80x80xf32> -> vector<80x80xf32>
    %dot_general3A_60 = arith.constant dense<0.000000e+00> : vector<80x80xf32>
    %dot_general3A_61 = tpu.matmul %select_n3A_53, %max3A_28, %dot_general3A_60 {dimension_numbers = #tpu.dot_dimension_numbers<[1], [0], [0], [1], [0, 0, 1, 1], [], []>, transpose_lhs_hint = false} : vector<80x4000xf32>, vector<4000x80xf32>, vector<80x80xf32> -> vector<80x80xf32>
    %add3A = arith.addf %dot_general3A_59, %dot_general3A_61 : vector<80x80xf32>
    %dot_general3A_62 = arith.constant dense<0.000000e+00> : vector<80x80xf32>
    %dot_general3A_63 = tpu.matmul %select_n3A_58, %mul3A_32, %dot_general3A_62 {dimension_numbers = #tpu.dot_dimension_numbers<[1], [0], [0], [1], [0, 0, 1, 1], [], []>, transpose_lhs_hint = false} : vector<80x4000xf32>, vector<4000x80xf32>, vector<80x80xf32> -> vector<80x80xf32>
    %add3A_64 = arith.addf %add3A, %dot_general3A_63 : vector<80x80xf32>
    %iota3A_65 = tpu.iota {dimensions = array<i32: 0>} : vector<80x80xi32>
    %iota3A_66 = tpu.iota {dimensions = array<i32: 1>} : vector<80x80xi32>
    %eq3A_67 = arith.cmpi eq, %iota3A_65, %iota3A_66 : vector<80x80xi32>
    %jit3A_68 = arith.constant 0.000000e+00 : f32
    %broadcast_in_dim3A_69 = vector.broadcast %jit3A_68 : f32 to vector<80x80xf32>
    %select_n3A_70 = arith.select %eq3A_67, %add3A_64, %broadcast_in_dim3A_69 : vector<80x80xi1>, vector<80x80xf32>
    %reshape3A = vector.shape_cast %select_n3A_70 : vector<80x80xf32> to vector<10x8x80xf32>
    %reduce_sum3A = arith.constant dense<0.000000e+00> : vector<8x80xf32>
    %reduce_sum3A_71 = vector.multi_reduction <add>, %reshape3A, %reduce_sum3A [0] : vector<10x8x80xf32> to vector<8x80xf32>
    %eq3A_72 = arith.constant 0 : i32
    %eq3A_73 = arith.cmpi eq, %arg0, %eq3A_72 : i32
    %convert_element_type3A_74 = arith.extui %eq3A_73 : i1 to i32
    %cond3A = arith.constant 0 : i32
    %cond3A_75 = arith.cmpi ne, %convert_element_type3A_74, %cond3A : i32
    scf.if %cond3A_75 {
      %slice3A = vector.extract_strided_slice %mul3A_32 {offsets = [960, 0], sizes = [3040, 80], strides = [1, 1]} : vector<4000x80xf32> to vector<3040x80xf32>
      %reshape3A_85 = vector.shape_cast %slice3A : vector<3040x80xf32> to vector<380x8x80xf32>
      %reduce_sum3A_86 = arith.constant dense<0.000000e+00> : vector<8x80xf32>
      %reduce_sum3A_87 = vector.multi_reduction <add>, %reshape3A_85, %reduce_sum3A_86 [0] : vector<380x8x80xf32> to vector<8x80xf32>
      %add3A_88 = arith.addf %reduce_sum3A_87, %reduce_sum3A_71 : vector<8x80xf32>
      %swap3A = arith.constant 0 : index
      %swap3A_89 = arith.constant 0 : index
      %swap3A_90 = vector.load %arg4[%swap3A, %swap3A_89] : memref<8x80xf32, #tpu.memory_space<vmem>>, vector<8x80xf32>
      tpu.vector_store %arg4[%swap3A, %swap3A_89], %add3A_88 {strides = array<i32>} : memref<8x80xf32, #tpu.memory_space<vmem>>, vector<8x80xf32>,
    } else {
    }
    %gt3A = arith.constant 0 : i32
    %gt3A_76 = arith.cmpi sgt, %arg0, %gt3A : i32
    %convert_element_type3A_77 = arith.extui %gt3A_76 : i1 to i32
    %cond3A_78 = arith.constant 0 : i32
    %cond3A_79 = arith.cmpi ne, %convert_element_type3A_77, %cond3A_78 : i32
    scf.if %cond3A_79 {
      %reshape3A_85 = vector.shape_cast %mul3A_32 : vector<4000x80xf32> to vector<500x8x80xf32>
      %reduce_sum3A_86 = arith.constant dense<0.000000e+00> : vector<8x80xf32>
      %reduce_sum3A_87 = vector.multi_reduction <add>, %reshape3A_85, %reduce_sum3A_86 [0] : vector<500x8x80xf32> to vector<8x80xf32>
      %get3A_88 = arith.constant 0 : index
      %get3A_89 = arith.constant 0 : index
      %get3A_90 = vector.load %arg4[%get3A_88, %get3A_89] : memref<8x80xf32, #tpu.memory_space<vmem>>, vector<8x80xf32>
      %add3A_91 = arith.addf %reduce_sum3A_87, %reduce_sum3A_71 : vector<8x80xf32>
      %add3A_92 = arith.addf %get3A_90, %add3A_91 : vector<8x80xf32>
      %swap3A = arith.constant 0 : index
      %swap3A_93 = arith.constant 0 : index
      %swap3A_94 = vector.load %arg4[%swap3A, %swap3A_93] : memref<8x80xf32, #tpu.memory_space<vmem>>, vector<8x80xf32>
      tpu.vector_store %arg4[%swap3A, %swap3A_93], %add3A_92 {strides = array<i32>} : memref<8x80xf32, #tpu.memory_space<vmem>>, vector<8x80xf32>,
    } else {
    }
    %eq3A_80 = arith.constant 14 : i32
    %eq3A_81 = arith.cmpi eq, %arg0, %eq3A_80 : i32
    %convert_element_type3A_82 = arith.extui %eq3A_81 : i1 to i32
    %cond3A_83 = arith.constant 0 : i32
    %cond3A_84 = arith.cmpi ne, %convert_element_type3A_82, %cond3A_83 : i32
    scf.if %cond3A_84 {
      %get3A_85 = arith.constant 0 : index
      %get3A_86 = arith.constant 0 : index
      %get3A_87 = vector.load %arg4[%get3A_85, %get3A_86] : memref<8x80xf32, #tpu.memory_space<vmem>>, vector<8x80xf32>
      %reduce_sum3A_88 = vector.shape_cast %get3A_87 : vector<8x80xf32> to vector<1x8x80xf32>
      %reduce_sum3A_89 = arith.constant dense<0.000000e+00> : vector<1xf32>
      %reduce_sum3A_90 = vector.multi_reduction <add>, %reduce_sum3A_88, %reduce_sum3A_89 [1, 2] : vector<1x8x80xf32> to vector<1xf32>
      %reduce_sum3A_91 = vector.shape_cast %reduce_sum3A_90 : vector<1xf32> to vector<1x1x1xf32>
      %reduce_sum3A_92 = vector.extract %reduce_sum3A_91[0, 0, 0] : f32 from vector<1x1x1xf32>
      %swap3A = arith.constant 0 : index
      %swap3A_93 = arith.constant 0 : index
      %swap3A_94 = memref.load %arg3[%swap3A, %swap3A_93] : memref<1x1xf32, #tpu.memory_space<smem>>
      memref.store %reduce_sum3A_92, %arg3[%swap3A, %swap3A_93] : memref<1x1xf32, #tpu.memory_space<smem>>
    } else {
    }
    return
  }
  func.func @transform_0(%arg0: i32) -> (i32, i32) {
    %add3A = arith.constant 10 : i32
    %add3A_0 = arith.addi %arg0, %add3A : i32
    %c0_i32 = arith.constant 0 : i32
    %c0_i32_1 = arith.constant 0 : i32
    return %add3A_0, %c0_i32 : i32, i32
  }
  func.func @transform_1(%arg0: i32) -> (i32, i32, i32) {
    %c0_i32 = arith.constant 0 : i32
    %c0_i32_0 = arith.constant 0 : i32
    %c0_i32_1 = arith.constant 0 : i32
    return %arg0, %c0_i32, %c0_i32_0 : i32, i32, i32
  }
  func.func @transform_2(%arg0: i32) -> (i32, i32) {
    %c0_i32 = arith.constant 0 : i32
    %c0_i32_0 = arith.constant 0 : i32
    %c0_i32_1 = arith.constant 0 : i32
    return %c0_i32, %c0_i32_0 : i32, i32
  }
}

</mosaic_0001>

<sc_bundles>
// kernel: kernel.4.cloned.1.call-start
scs
__scs_entry_jumppad:
0x0: {  	(pc) =	sbr.rel $0x88, $3  }
0x1: {  	(tag) =	ssettag $0x0;
	lr =	simm.s32 $0x1  }
0x2: {  	[smem:$0x3F9D] =	sst lr;
	_ =	strace $0xD0000000  }
0x3: {  	_ = 	snop  }
0x4: {  	_ = 	snop  }
0x5: {  	_ = 	snop  }
0x6: {  	_ = 	snop  }
0x7: {  	_ = 	snop  }
__scs_overlays_trampoline_lowered:
0x8: {  	[smem:$0x3FAC] =	sst s0  }
0x9: {  	[smem:$0x3FAD] =	sst s1  }
0xa: {  	[smem:$0x3FAE] =	sst s2  }
0xb: {  	[smem:$0x3FAF] =	sst s3  }
0xc: {  	[smem:$0x3FB0] =	sst s4  }
0xd: {  	[smem:$0x3FB1] =	sst s5  }
0xe: {  	[smem:$0x3FB2] =	sst s6  }
0xf: {  	[smem:$0x3FB3] =	sst s7  }
0x10: {  	[smem:$0x3FB4] =	sst s8  }
0x11: {  	[smem:$0x3FB5] =	sst s9;
	s0 =	simm.s32 @!p0 $0x0  }
0x12: {  	s1 =	sld [smem:$0x3F9B];
	s0 =	simm.s32 @p0 $0x1  }
0x13: {  	[smem:$0x3FB6] =	sst s0;
	s0 =	simm.s32 @!p1 $0x0  }
0x14: {  	s2 =	sld [smem:$0x3F9A];
	s0 =	simm.s32 @p1 $0x1  }
0x15: {  	[smem:$0x3FB7] =	sst s0;
	s0 =	simm.s32 @!p2 $0x0  }
0x16: {  	s3 =	sld [smem:$0x3FDB];
	s0 =	simm.s32 @p2 $0x1  }
0x17: {  	s4 =	simm.s32 $0x1BF5;
	[smem:$0x3FB9] =	sst s0  }
0x18: {  	s0 =	sld [smem:$0x3F9C];
	_ =	swait.ge [sflag:s4], $0x0  }
0x19: {  	s7 =	sld [smem:$0x3F9D]  }
0x1a: {  	s8 =	sadd.s32 $0xFFFFE003, lr  }
0x1b: {  	s9 =	sadd.s32 $0xFFFFFEF7, lr;
	s5 =	simm.s32 $0xFFFFFFFF;
	p2 =	slt.u32 s8, $0xFFFFF086  }
0x1c: {  	p1 =	slt.u32 s9, $0xF7A;
	s5 =	simm.s32 @!p2 $0x0  }
0x1d: {  	s5 =	simm.s32 @p1 $0x1;
	p0 =	seq.s32 s7, s2  }
0x1e: {  	s7 =	smul.u32 @!p0 $0xF7A, s2;
	p2 =	seq.s32 @!p0 s5, $0x0  }
0x1f: {  	s9 =	smul.u32 $0xF7A, s1;
	s8 =	simm.s32 @!p0 $0x1BF5;
	p2 =	por !p2, p0  }
0x20: {  	[sflag:s8] =	ssyncset.s32 @!p0 $0xFFFFF086;
	s6 =	sadd.s32 @!p0 s3, s7;
	s7 =	simm.s32 @!p0 $0x108  }
0x21: {  	s3 =	sadd.s32 s3, s9;
	s6 =	sadd.s32 @!p0 $0x88, s6;
	s7 =	simm.s32 @p2 $0x1082  }
0x22: {  	[simem:s7], [sflag:s8] =	dma.local @!p0 [hbm:s6], $0xF7A  }
0x23: {  	s9 =	sor.u32 $0xD0000000, s2;
	s6 =	simm.s32 $0x108;
	_ =	swait.ge @!p0 [sflag:s8], $0x0  }
0x24: {  	s3 =	sadd.s32 $0x88, s3;
	s6 =	simm.s32 @!p1 $0x1082;
	[sflag:s4] =	ssyncset.s32 $0xFFFFF086  }
0x25: {  	[simem:s6], [sflag:s4] =	dma.local [hbm:s3], $0xF7A  }
0x26: {  	[smem:$0x3F9D] =	sst s1;
	(tag) =	ssettag s2;
	_ =	strace s9  }
0x27: {  	s1 =	sld [smem:$0x3FAD]  }
0x28: {  	s2 =	sld [smem:$0x3FAE]  }
0x29: {  	s4 =	sld [smem:$0x3FB0]  }
0x2a: {  	p0 =	seq.s32 s5, $0x0;
	s5 =	sld [smem:$0x3FB1]  }
0x2b: {  	s6 =	sld [smem:$0x3FB2]  }
0x2c: {  	s7 =	sld [smem:$0x3FB3]  }
0x2d: {  	s3 =	simm.s32 $0x108;
	s8 =	sld [smem:$0x3FB4]  }
0x2e: {  	s3 =	simm.s32 @!p0 $0x1082;
	s9 =	sld [smem:$0x3FB5]  }
0x2f: {  	lr =	sadd.s32 s0, s3;
	s0 =	sld [smem:$0x3FAC]  }
0x30: {  	s3 =	sld [smem:$0x3FAF]  }
0x31: {  	[smem:$0x3FB8] =	sst s10  }
0x32: {  	s10 =	sld [smem:$0x3FB6];
	_ =	sdelay $0x3  }
0x33: {  	p0 =	seq.s32 s10, $0x1;
	s10 =	sld [smem:$0x3FB8];
	_ =	sdelay $0x3  }
0x34: {  	[smem:$0x3FB8] =	sst s10  }
0x35: {  	s10 =	sld [smem:$0x3FB7];
	_ =	sdelay $0x3  }
0x36: {  	p1 =	seq.s32 s10, $0x1;
	s10 =	sld [smem:$0x3FB8];
	_ =	sdelay $0x3  }
0x37: {  	[smem:$0x3FB8] =	sst s10  }
0x38: {  	s10 =	sld [smem:$0x3FB9]  }
0x39: {  	_ = 	snop;
	(pc) =	sbr.ind lr, $3  }
0x3a: {  	_ = 	snop  }
0x3b: {  	_ = 	snop  }
0x3c: {  	p2 =	seq.s32 s10, $0x1;
	s10 =	sld [smem:$0x3FB8]  }
0x3d: {  	_ =	shalt  }
0x3e: {  	_ =	shalt  }
0x3f: {  	_ =	shalt  }
0x40: {  	_ =	shalt  }
0x41: {  	_ =	shalt  }
0x42: {  	_ =	shalt  }
0x43: {  	_ =	shalt  }
0x44: {  	_ =	shalt  }
0x45: {  	_ =	shalt  }
0x46: {  	_ =	shalt  }
0x47: {  	_ =	shalt  }
0x48: {  	_ =	shalt  }
0x49: {  	_ =	shalt  }
0x4a: {  	_ =	shalt  }
0x4b: {  	_ =	shalt  }
0x4c: {  	_ =	shalt  }
0x4d: {  	_ =	shalt  }
0x4e: {  	_ =	shalt  }
0x4f: {  	_ =	shalt  }
0x50: {  	_ =	shalt  }
0x51: {  	_ =	shalt  }
0x52: {  	_ =	shalt  }
0x53: {  	_ =	shalt  }
0x54: {  	_ =	shalt  }
0x55: {  	_ =	shalt  }
0x56: {  	_ =	shalt  }
0x57: {  	_ =	shalt  }
0x58: {  	_ =	shalt  }
0x59: {  	_ =	shalt  }
0x5a: {  	_ =	shalt  }
0x5b: {  	_ =	shalt  }
0x5c: {  	_ =	shalt  }
0x5d: {  	_ =	shalt  }
0x5e: {  	_ =	shalt  }
0x5f: {  	_ =	shalt  }
0x60: {  	_ =	shalt  }
0x61: {  	_ =	shalt  }
0x62: {  	_ =	shalt  }
0x63: {  	_ =	shalt  }
0x64: {  	_ =	shalt  }
0x65: {  	_ =	shalt  }
0x66: {  	_ =	shalt  }
0x67: {  	_ =	shalt  }
0x68: {  	_ =	shalt  }
0x69: {  	_ =	shalt  }
0x6a: {  	_ =	shalt  }
0x6b: {  	_ =	shalt  }
0x6c: {  	_ =	shalt  }
0x6d: {  	_ =	shalt  }
0x6e: {  	_ =	shalt  }
0x6f: {  	_ =	shalt  }
0x70: {  	_ =	shalt  }
0x71: {  	_ =	shalt  }
0x72: {  	_ =	shalt  }
0x73: {  	_ =	shalt  }
0x74: {  	_ =	shalt  }
0x75: {  	_ =	shalt  }
0x76: {  	_ =	shalt  }
0x77: {  	_ =	shalt  }
0x78: {  	_ =	shalt  }
0x79: {  	_ =	shalt  }
0x7a: {  	_ =	shalt  }
0x7b: {  	_ =	shalt  }
0x7c: {  	_ =	shalt  }
0x7d: {  	_ =	shalt  }
0x7e: {  	_ =	shalt  }
0x7f: {  	_ =	shalt  }
0x80: {  	_ =	shalt  }
0x81: {  	_ =	shalt  }
0x82: {  	_ =	shalt  }
0x83: {  	_ =	shalt  }
0x84: {  	_ =	shalt  }
0x85: {  	_ =	shalt  }
0x86: {  	_ =	shalt  }
0x87: {  	_ =	shalt  }
.Lfunc_end0:
.L_simem_size_0:
called_computation_lowered:
.L_overlay_start_0:
0x88: {  	s2 =	sld [smem:$0x3FD9]  }
0x89: {  	s3 =	sld [smem:$0x3FFE];
	_ =	sdelay $0x1  }
0x8a: {  	s1 =	srdreg.scid  }
0x8b: {  	s0 =	sand.u32 $0x1, s1  }
0x8c: {  	s16 =	sshll.u32 s0, $0xA;
	s2 =	sadd.s32 s3, s2  }
0x8d: {  	s2 =	sadd.s32 s2, s16  }
0x8e: {  	[smem:$0x3FC4] =	sst s2  }
0x8f: {  	_ = 	snop  }
0x90: {  	(tm) =	ssettm $0x1  }
0x91: {  	s17 =	sld [smem:$0x3FFB];
	_ =	sdelay $0x3  }
0x92: {  	_ =	strace s17  }
0x93: {  	s2 =	sld [smem:$0x3FFC];
	_ =	sdelay $0x3  }
0x94: {  	_ =	strace s2  }
0x95: {  	s2 =	sld [smem:$0x3FFD];
	_ =	sdelay $0x3  }
0x96: {  	_ =	strace s2  }
0x97: {  	_ =	strace $0x8FFFFFFF  }
0x98: {  	s18 =	sld [smem:$0x3FDB];
	_ =	sdelay $0x1  }
0x99: {  	s19 =	simm.s32 $_scs_section_size  }
0x9a: {  	s4 =	simm.s32 $_size__tile_overlayer_lowered;
	s5 =	simm.s32 $_tile_overlayer_lowered  }
0x9b: {  	s22 =	simm.s32 $0x1BFF;
	s21 =	sshll.u32 s5, $0x1;
	s2 =	sadd.s32 s19, s18  }
0x9c: {  	s6 =	simm.s32 $0x0;
	s20 =	sshll.u32 s4, $0x1;
	s4 =	sadd.s32 s21, s2  }
0x9d: {  	[timem:s6], [sflag:s22] =	dma.local [hbm:s4], s20  }
0x9e: {  	_ =	swait.ge [sflag:s22], s20  }
0x9f: {  	s3 =	ssub.s32 $0x0, s20;
	[sflag:s22] =	ssyncset.done $0x0  }
0xa0: {  	[sflag:s22] =	ssyncadd.s32 s3;
	_ =	sdelay $0x1  }
0xa1: {  	s23 =	simm.s32 $0x1B8B  }
0xa2: {  	_ =	swait.ge [sflag:s23], $0x1  }
0xa3: {  	[sflag:s23] =	ssyncset.done $0x0  }
0xa4: {  	s25 =	simm.s32 $0x1B8E;
	s24 =	sld [smem:$0x3FFE];
	[sflag:s23] =	ssyncadd.s32 $0xFFFFFFFF  }
0xa5: {  	s26 =	simm.s32 $execute0_lowered;
	[smem:$0x3FD2] =	sst s25  }
0xa6: {  	s4 =	sshll.u32 s26, $0x1;
	_ =	strace $0x80000046;
	[dreg:$0x1] =	wrdreg $0xFFFFFFFF  }
0xa7: {  	s28 =	simm.s32 $_size_execute0_lowered;
	s2 =	sadd.s32 s2, s4;
	[dreg:$0x0] =	wrdreg $0x0  }
0xa8: {  	s4 =	sshll.u32 s28, $0x1;
	[dreg:$0x2] =	wrdreg s2  }
0xa9: {  	[dreg:$0x3] =	wrdreg s4  }
0xaa: {  	[dreg:$0x4] =	wrdreg $0xC0  }
0xab: {  	_ =	task [dreg:s6], $0x5FFFF  }
0xac: {  	[dreg:$0x1] =	wrdreg $0xFFFFFFFF  }
0xad: {  	[dreg:$0x0] =	wrdreg $0x60  }
0xae: {  	[dreg:$0x2] =	wrdreg s24  }
0xaf: {  	[dreg:$0x3] =	wrdreg $0x7D000  }
0xb0: {  	[dreg:$0x4] =	wrdreg $0x9  }
0xb1: {  	_ =	task.clear_ibuf [dreg:s6], $0x5FFFF;
	_ =	strace $0x90000046  }
0xb2: {  	s29 =	simm.s32 $0x9;
	_ =	strace $0x80000048  }
0xb3: {  	_ =	swait.ge [sflag:s29], $0x1  }
0xb4: {  	[sflag:s29] =	ssyncadd.s32 $0xFFFFFFFF  }
0xb5: {  	_ =	strace $0x90000048  }
0xb6: {  	_ =	sfence  }
0xb7: {  	s30 =	sld [smem:$0x0];
	_ =	sdelay $0x2  }
0xb8: {  	s31 =	sshll.u32 s1, $0xD;
	s1 =	sshrl.u32 s1, $0x2  }
0xb9: {  	s3 =	sand.u32 $0x4000, s31;
	s1 =	sadd.s32 s1, s30  }
0xba: {  	s0 =	sor.u32 s3, s0;
	s1 =	sshll.u32 s1, $0x11  }
0xbb: {  	s0 =	sor.u32 s1, s0  }
0xbc: {  	s0 =	sadd.s32 $0x8F2B, s0  }
0xbd: {  	[sflag:s0] =	ssyncadd.remote.s32 $0x1  }
0xbe: {  	_ =	sfence.sel $0xFFFF  }
0xbf: {  	[dreg:$0x0] =	wrdreg $0xFFFFFFFF;
	(pc) =	sbr.abs _section_cstart, $3  }
0xc0: {  	[dreg:$0x1] =	wrdreg $0xFFFFFFFF  }
0xc1: {  	_ =	task.clear_ibuf [dreg:s6], $0x2FFFF;
	_ =	strace $0x9FFFFFFF  }
0xc2: {  	(tm) =	ssettm $0x7FFFFFFF  }
0xc3: {  	_ =	shalt  }
tec
execute0_lowered:
.L_overlay_start_1:
0x0: {  	(tag) =	ssettag $0x1  }
0x1: {  	s5 =	rddreg [dreg:$0x0]  }
0x2: {  	s2 =	rddreg [dreg:$0x1]  }
0x3: {  	s0 =	rddreg [dreg:$0x2];
	s3 =	simm.s32 $0x0;
	s4 =	srdreg.scid  }
0x4: {  	s1 =	stileid.u32;
	s11 =	simm.s32 $0x1;
	s12 =	simm.s32 $0x4000  }
0x5: {  	s13 =	simm.s32 $0x4;
	s14 =	simm.s32 $0x80;
	s15 =	simm.s32 $0x7C00  }
0x6: {  	s16 =	simm.s32 $0x7C80;
	s18 =	simm.s32 $0xA500;
	s19 =	simm.s32 $0x0  }
0x7: {  	[smem:$0x7FF] =	sst s3;
	s6 =	sand.u32 $0x1, s4;
	s31 =	sshll.u32 s1, $0x1  }
0x8: {  	s4 =	sadd.s32 $0x600, s5;
	s17 =	smul.u32 $0x2800, s1;
	s7 =	sor.u32 s6, s31  }
0x9: {  	s6 =	ssub.s32 $0x2, s6;
	s8 =	smul.u32 $0x280, s7;
	s9 =	sshll.u32 s7, $0x4  }
0xa: {  	_ =	strace $0x80000047;
	s10 =	sshrl.u32 s6, $0x1;
	s9 =	sadd.s32 s9, s5  }
0xb: {  	s10 =	ssub.s32 s6, s10;
	s6 =	smul.u32 $0x28000, s7;
	s8 =	sadd.s32 s8, s5  }
0xc: {  	v1 =	vlaneseq.u32;
	v0 =	vmov s17;
	s7 =	sadd.s32 s17, s2;
	s17 =	simm.s32 $0x3;
	s5 =	sadd.s32 $0x187000, s8  }
0xd: {  	v1 =	vmul.u32 $0x50, v1;
	s8 =	sadd.s32 $0x193400, s9;
	s9 =	smax.u32 s10, $0x1;
	s10 =	simm.s32 $0x2  }
.LBB2_1:
0xe: {  	s20 =	simm.s32 $0x6800  }
0xf: {  	[tilespmem:s20], [sflag:$0x2] =	stream.linear.gather [hbm4b:s5+s3], $0x1400, $0x38;
	[tilespmem:$0xA580] =	vst v63  }
0x10: {  	_ =	swait.ge [sflag:s10], $0x1400  }
0x11: {  	[sflag:s10] =	ssyncset.done $0x0  }
0x12: {  	v2 =	vimm.f32 $0.0e+00;
	v3 =	vimm.f32 $0.0e+00;
	s21 =	simm.s32 $0x0;
	[sflag:s10] =	ssyncadd.s32 $0xFFFFEC00  }
.LBB2_2:
0x13: {  	s22 =	sshll.u32 s21, $0xE  }
0x14: {  	s22 =	sadd.s32 s6, s22  }
0x15: {  	s22 =	sshrl.u32 s22, $0x3  }
0x16: {  	s23 =	simm.s32 $0x0;
	s22 =	sadd.s32 s4, s22  }
0x17: {  	[tilespmem:s23], [sflag:$0x1] =	stream.linear.gather [hbm4b:s22+s23], $0x4000, $0x38;
	[tilespmem:$0xA580] =	vst v63  }
0x18: {  	_ =	swait.ge [sflag:s11], $0x4000  }
0x19: {  	[sflag:s11] =	ssyncset.done $0x0  }
0x1a: {  	s29 =	simm.s32 $0x0;
	[sflag:s11] =	ssyncadd.s32 $0xFFFFC000  }
0x1b: {  	v5 =	vld [tilespmem:s29+$0x0];
	_ =	sdelay $0x3  }
0x1c: {  	s30 =	simm.s32 $0x4020  }
0x1d: {  	[tilespmem:s30+$0xFFFFFFE0] =	vst v5  }
0x1e: {  	v6 =	vld [tilespmem:s29+$0x10];
	_ =	sdelay $0x1  }
0x1f: {  	v4 =	vsub.f32 $1.000000000e+00, v5;
	_ =	sdelay $0x1  }
0x20: {  	v8 =	vand.u32 $0x7FFFFF, v4  }
0x21: {  	v8 =	vor.u32 $0x3F800000, v8;
	[tilespmem:s30+$0xFFFFFFF0] =	vst v6  }
0x22: {  	v8 =	vadd.f32 $-1.000000000e+00, v8;
	v7 =	vld [tilespmem:s29+$0x20]  }
0x23: {  	v4 =	vshra.s32 v4, $0x17  }
0x24: {  	v4 =	vadd.s32 $0xFFFFFF81, v4;
	v10 =	vmul.f32 $5.545931310e-02, v8  }
0x25: {  	v4 =	vcvt.s32.f32 v4  }
0x26: {  	v9 =	vsub.f32 $1.000000000e+00, v6;
	v10 =	vsub.f32 $2.186654810e-01, v10  }
0x27: {  	v5 =	vmul.f32 v5, v5;
	v16 =	vmul.f32 $6.931471820e-01, v4;
	v11 =	vsub.f32 $1.000000000e+00, v7;
	[tilespmem:s30+$0x0] =	vst v7  }
0x28: {  	v12 =	vand.u32 $0x7FFFFF, v9;
	v9 =	vshra.s32 v9, $0x17;
	v10 =	vmul.f32 v10, v8;
	v13 =	vld [tilespmem:s29+$0x30]  }
0x29: {  	v12 =	vor.u32 $0x3F800000, v12;
	v9 =	vadd.s32 $0xFFFFFF81, v9;
	v14 =	vand.u32 $0x7FFFFF, v11  }
0x2a: {  	v12 =	vadd.f32 $-1.000000000e+00, v12;
	v4 =	vadd.f32 $-4.664424360e-01, v10;
	v14 =	vor.u32 $0x3F800000, v14  }
0x2b: {  	v6 =	vmul.f32 v6, v6;
	v9 =	vcvt.s32.f32 v9;
	v14 =	vadd.f32 $-1.000000000e+00, v14  }
0x2c: {  	v15 =	vmul.f32 $5.545931310e-02, v12;
	v4 =	vmul.f32 v4, v8  }
0x2d: {  	v9 =	vmul.f32 $6.931471820e-01, v9;
	v10 =	vmul.f32 $5.545931310e-02, v14;
	[tilespmem:s30+$0x10] =	vst v13  }
0x2e: {  	v15 =	vsub.f32 $2.186654810e-01, v15;
	v11 =	vshra.s32 v11, $0x17;
	v4 =	vadd.f32 $9.962619540e-01, v4;
	v18 =	vld [tilespmem:s29+$0x40]  }
0x2f: {  	v7 =	vmul.f32 v7, v7;
	v11 =	vadd.s32 $0xFFFFFF81, v11;
	v10 =	vsub.f32 $2.186654810e-01, v10  }
0x30: {  	v15 =	vmul.f32 v15, v12;
	v17 =	vsub.f32 $1.000000000e+00, v13;
	v4 =	vmul.f32 v4, v8  }
0x31: {  	v11 =	vcvt.s32.f32 v11;
	v10 =	vmul.f32 v10, v14  }
0x32: {  	v15 =	vadd.f32 $-4.664424360e-01, v15;
	v19 =	vand.u32 $0x7FFFFF, v17;
	v21 =	vadd.f32 $6.944574120e-05, v4  }
0x33: {  	v19 =	vor.u32 $0x3F800000, v19;
	v8 =	vadd.f32 $-4.664424360e-01, v10;
	v20 =	vsub.f32 $1.000000000e+00, v18  }
0x34: {  	v11 =	vmul.f32 $6.931471820e-01, v11;
	v19 =	vadd.f32 $-1.000000000e+00, v19;
	v10 =	vmul.f32 v15, v12  }
0x35: {  	s31 =	simm.s32 $0x80;
	v16 =	vadd.f32 v21, v16;
	[tilespmem:s30+$0x20] =	vst v18;
	v8 =	vmul.f32 v8, v14;
	v4 =	vand.u32 $0x7FFFFF, v20  }
0x36: {  	v21 =	vmul.f32 v13, v13;
	v10 =	vadd.f32 $9.962619540e-01, v10;
	v22 =	vor.u32 $0x3F800000, v4;
	v4 =	vld [tilespmem:s31+$0x0]  }
0x37: {  	v15 =	vmul.f32 $5.545931310e-02, v19;
	v16 =	vmul.f32 v16, v5;
	v8 =	vadd.f32 $9.962619540e-01, v8  }
0x38: {  	v23 =	vmul.f32 v18, v18;
	v10 =	vmul.f32 v10, v12  }
0x39: {  	v15 =	vsub.f32 $2.186654810e-01, v15;
	v20 =	vshra.s32 v20, $0x17;
	v8 =	vmul.f32 v8, v14  }
0x3a: {  	s22 =	simm.s32 $0x4070;
	v3 =	vadd.f32 v16, v3;
	v20 =	vadd.s32 $0xFFFFFF81, v20;
	v10 =	vadd.f32 $6.944574120e-05, v10  }
0x3b: {  	v12 =	vshra.s32 v17, $0x17;
	v17 =	vcvt.s32.f32 v20;
	v8 =	vadd.f32 $6.944574120e-05, v8;
	[tilespmem:s22+$0xFFFFFFE0] =	vst v4  }
0x3c: {  	v12 =	vadd.s32 $0xFFFFFF81, v12;
	v14 =	vsub.f32 $1.000000000e+00, v4;
	v9 =	vadd.f32 v10, v9;
	v5 =	vld [tilespmem:s31+$0x10]  }
0x3d: {  	v18 =	vadd.f32 $-1.000000000e+00, v22;
	v12 =	vcvt.s32.f32 v12;
	v8 =	vadd.f32 v8, v11  }
0x3e: {  	v10 =	vshra.s32 v14, $0x17;
	v11 =	vand.u32 $0x7FFFFF, v14;
	v6 =	vmul.f32 v9, v6  }
0x3f: {  	v9 =	vadd.s32 $0xFFFFFF81, v10;
	v10 =	vor.u32 $0x3F800000, v11;
	v11 =	vmul.f32 $5.545931310e-02, v18  }
0x40: {  	v16 =	vmul.f32 $6.931471820e-01, v12;
	v12 =	vmul.f32 v15, v19;
	v14 =	vadd.f32 $-1.000000000e+00, v10  }
0x41: {  	v9 =	vcvt.s32.f32 v9;
	v13 =	vmul.f32 v8, v7;
	v15 =	vsub.f32 $2.186654810e-01, v11;
	[tilespmem:s22+$0xFFFFFFF0] =	vst v5  }
0x42: {  	v6 =	vadd.f32 v6, v3;
	v7 =	vsub.f32 $1.000000000e+00, v5;
	v8 =	vmul.f32 $5.545931310e-02, v14;
	v3 =	vld [tilespmem:s31+$0x20]  }
0x43: {  	v20 =	vmul.f32 $6.931471820e-01, v17;
	v15 =	vmul.f32 v15, v18  }
0x44: {  	v10 =	vmul.f32 $6.931471820e-01, v9;
	v9 =	vand.u32 $0x7FFFFF, v7;
	v8 =	vsub.f32 $2.186654810e-01, v8  }
0x45: {  	v7 =	vshra.s32 v7, $0x17;
	v9 =	vor.u32 $0x3F800000, v9;
	v15 =	vadd.f32 $-4.664424360e-01, v15  }
0x46: {  	v12 =	vadd.f32 $-4.664424360e-01, v12;
	v7 =	vadd.s32 $0xFFFFFF81, v7;
	v11 =	vadd.f32 $-1.000000000e+00, v9  }
0x47: {  	v9 =	vmul.f32 v8, v14;
	v25 =	vmul.f32 v15, v18;
	[tilespmem:s22+$0x0] =	vst v3;
	v17 =	vsub.f32 $1.000000000e+00, v3  }
0x48: {  	v24 =	vadd.f32 v13, v6;
	v8 =	vcvt.s32.f32 v7;
	v22 =	vmul.f32 $5.545931310e-02, v11;
	v7 =	vld [tilespmem:s31+$0x30]  }
0x49: {  	v9 =	vadd.f32 $-4.664424360e-01, v9;
	v25 =	vadd.f32 $9.962619540e-01, v25;
	v6 =	vshra.s32 v17, $0x17  }
0x4a: {  	v13 =	vand.u32 $0x7FFFFF, v17;
	v17 =	vsub.f32 $2.186654810e-01, v22;
	v22 =	vmul.f32 v12, v19  }
0x4b: {  	v13 =	vor.u32 $0x3F800000, v13;
	v6 =	vadd.s32 $0xFFFFFF81, v6;
	v18 =	vmul.f32 v25, v18  }
0x4c: {  	v13 =	vadd.f32 $-1.000000000e+00, v13;
	v12 =	vcvt.s32.f32 v6;
	v6 =	vadd.f32 $9.962619540e-01, v22  }
0x4d: {  	v17 =	vmul.f32 v17, v11;
	v22 =	vmul.f32 v9, v14;
	[tilespmem:s22+$0x10] =	vst v7;
	v15 =	vsub.f32 $1.000000000e+00, v7  }
0x4e: {  	v26 =	vmul.f32 $5.545931310e-02, v13;
	v6 =	vmul.f32 v6, v19;
	v9 =	vld [tilespmem:s31+$0x40]  }
0x4f: {  	v17 =	vadd.f32 $-4.664424360e-01, v17;
	v19 =	vadd.f32 $9.962619540e-01, v22;
	v22 =	vand.u32 $0x7FFFFF, v15  }
0x50: {  	v60 =	vsub.f32 $2.186654810e-01, v26;
	v61 =	vadd.f32 $6.944574120e-05, v6;
	v22 =	vor.u32 $0x3F800000, v22  }
0x51: {  	v17 =	vmul.f32 v17, v11;
	v6 =	vadd.f32 $-1.000000000e+00, v22;
	v22 =	vadd.f32 $6.944574120e-05, v18  }
0x52: {  	v14 =	vmul.f32 v19, v14;
	v19 =	vmul.f32 v60, v13;
	v16 =	vadd.f32 v61, v16  }
0x53: {  	v62 =	vmul.f32 $5.545931310e-02, v6;
	v18 =	vsub.f32 $1.000000000e+00, v9;
	v22 =	vadd.f32 v22, v20  }
0x54: {  	v20 =	vadd.f32 $6.944574120e-05, v14;
	v63 =	vadd.f32 $-4.664424360e-01, v19;
	v21 =	vmul.f32 v16, v21  }
0x55: {  	v14 =	vsub.f32 $2.186654810e-01, v62;
	v16 =	vand.u32 $0x7FFFFF, v18;
	v19 =	vmul.f32 v22, v23  }
0x56: {  	s23 =	simm.s32 $0x400;
	[tilespmem:s22+$0x20] =	vst v9;
	v22 =	vmul.f32 v63, v13;
	v21 =	vadd.f32 v21, v24;
	v16 =	vor.u32 $0x3F800000, v16  }
.LBB2_3:
0x57: {  	s24 =	sshra.s32 s23, $0x2;
	p0 =	sne.s32 s23, $0xFE00;
	s23 =	sadd.s32 $0x200, s23;
	v10 =	vadd.f32 v20, v10;
	v17 =	vadd.f32 $9.962619540e-01, v17;
	v18 =	vshra.s32 v18, $0x17  }
0x58: {  	v20 =	vld [tilespmem:s24+$0x0];
	v22 =	vadd.f32 $9.962619540e-01, v22;
	v18 =	vadd.s32 $0xFFFFFF81, v18;
	v19 =	vadd.f32 v19, v21  }
0x59: {  	v15 =	vshra.s32 v15, $0x17;
	v11 =	vmul.f32 v17, v11;
	v17 =	vcvt.s32.f32 v18  }
0x5a: {  	v23 =	vmul.f32 v4, v4;
	v15 =	vadd.s32 $0xFFFFFF81, v15;
	v13 =	vmul.f32 v22, v13  }
0x5b: {  	v8 =	vmul.f32 $6.931471820e-01, v8;
	v15 =	vcvt.s32.f32 v15;
	v11 =	vadd.f32 $6.944574120e-05, v11  }
0x5c: {  	v12 =	vmul.f32 $6.931471820e-01, v12;
	s22 =	sadd.s32 $0x50, s22;
	v18 =	vmul.f32 v5, v5;
	v13 =	vadd.f32 $6.944574120e-05, v13  }
0x5d: {  	v10 =	vmul.f32 v10, v23;
	[tilespmem:s22+$0xFFFFFFE0] =	vst v20;
	v21 =	vsub.f32 $1.000000000e+00, v20;
	v8 =	vadd.f32 v11, v8;
	v4 =	vmovc v20  }
0x5e: {  	v3 =	vmul.f32 v3, v3;
	v22 =	vmul.f32 v7, v7;
	v5 =	vld [tilespmem:s24+$0x10];
	v11 =	vadd.f32 v13, v12  }
0x5f: {  	v7 =	vshra.s32 v21, $0x17;
	v12 =	vand.u32 $0x7FFFFF, v21;
	v8 =	vmul.f32 v8, v18  }
0x60: {  	v10 =	vadd.f32 v10, v19;
	v7 =	vadd.s32 $0xFFFFFF81, v7;
	v12 =	vor.u32 $0x3F800000, v12  }
0x61: {  	v18 =	vadd.f32 $-1.000000000e+00, v12;
	v7 =	vcvt.s32.f32 v7;
	v12 =	vmul.f32 v11, v3  }
0x62: {  	v19 =	vmul.f32 $6.931471820e-01, v15;
	v21 =	vmul.f32 v9, v9;
	v13 =	vadd.f32 v8, v10  }
0x63: {  	v16 =	vadd.f32 $-1.000000000e+00, v16;
	v8 =	vmul.f32 $5.545931310e-02, v18;
	[tilespmem:s22+$0xFFFFFFF0] =	vst v5;
	v9 =	vsub.f32 $1.000000000e+00, v5  }
0x64: {  	v20 =	vmul.f32 $6.931471820e-01, v17;
	v10 =	vmul.f32 $6.931471820e-01, v7;
	v3 =	vld [tilespmem:s24+$0x20]  }
0x65: {  	v15 =	vmul.f32 $5.545931310e-02, v16;
	v7 =	vsub.f32 $2.186654810e-01, v8;
	v8 =	vand.u32 $0x7FFFFF, v9  }
0x66: {  	v14 =	vmul.f32 v14, v6;
	v9 =	vshra.s32 v9, $0x17;
	v8 =	vor.u32 $0x3F800000, v8  }
0x67: {  	v15 =	vsub.f32 $2.186654810e-01, v15;
	v9 =	vadd.s32 $0xFFFFFF81, v9;
	v11 =	vadd.f32 $-1.000000000e+00, v8  }
0x68: {  	v7 =	vmul.f32 v7, v18;
	v8 =	vcvt.s32.f32 v9  }
0x69: {  	v14 =	vadd.f32 $-4.664424360e-01, v14;
	v15 =	vmul.f32 v15, v16;
	[tilespmem:s22+$0x0] =	vst v3;
	v9 =	vsub.f32 $1.000000000e+00, v3  }
0x6a: {  	v24 =	vadd.f32 v12, v13;
	v17 =	vadd.f32 $-4.664424360e-01, v7;
	v23 =	vmul.f32 $5.545931310e-02, v11;
	v7 =	vld [tilespmem:s24+$0x30]  }
0x6b: {  	v15 =	vadd.f32 $-4.664424360e-01, v15;
	v12 =	vshra.s32 v9, $0x17;
	v9 =	vand.u32 $0x7FFFFF, v9  }
0x6c: {  	v14 =	vmul.f32 v14, v6;
	v23 =	vsub.f32 $2.186654810e-01, v23;
	v9 =	vor.u32 $0x3F800000, v9  }
0x6d: {  	v12 =	vadd.s32 $0xFFFFFF81, v12;
	v13 =	vadd.f32 $-1.000000000e+00, v9;
	v9 =	vmul.f32 v15, v16  }
0x6e: {  	v14 =	vadd.f32 $9.962619540e-01, v14;
	v23 =	vmul.f32 v23, v11;
	v12 =	vcvt.s32.f32 v12  }
0x6f: {  	v17 =	vmul.f32 v17, v18;
	[tilespmem:s22+$0x10] =	vst v7;
	v15 =	vsub.f32 $1.000000000e+00, v7;
	v25 =	vadd.f32 $9.962619540e-01, v9  }
0x70: {  	v6 =	vmul.f32 v14, v6;
	v23 =	vadd.f32 $-4.664424360e-01, v23;
	v26 =	vmul.f32 $5.545931310e-02, v13;
	v9 =	vld [tilespmem:s24+$0x40]  }
0x71: {  	v14 =	vadd.f32 $9.962619540e-01, v17;
	v17 =	vand.u32 $0x7FFFFF, v15;
	v16 =	vmul.f32 v25, v16  }
0x72: {  	v27 =	vadd.f32 $6.944574120e-05, v6;
	v25 =	vsub.f32 $2.186654810e-01, v26;
	v26 =	vor.u32 $0x3F800000, v17  }
0x73: {  	v17 =	vmul.f32 v23, v11;
	v6 =	vadd.f32 $-1.000000000e+00, v26;
	v16 =	vadd.f32 $6.944574120e-05, v16  }
.Ltmp0:
0x74: {  	v19 =	vadd.f32 v27, v19;
	v14 =	vmul.f32 v14, v18;
	v23 =	vmul.f32 v25, v13;
	(pc) =	sbr.rel @p0 .LBB2_3-.Ltmp0, $4  }
0x75: {  	v25 =	vmul.f32 $5.545931310e-02, v6;
	[tilespmem:s22+$0x20] =	vst v9;
	v18 =	vsub.f32 $1.000000000e+00, v9;
	v16 =	vadd.f32 v16, v20  }
0x76: {  	v26 =	vmul.f32 v19, v22;
	v20 =	vadd.f32 $6.944574120e-05, v14;
	v23 =	vadd.f32 $-4.664424360e-01, v23  }
0x77: {  	v14 =	vsub.f32 $2.186654810e-01, v25;
	v25 =	vand.u32 $0x7FFFFF, v18;
	v19 =	vmul.f32 v16, v21  }
0x78: {  	v22 =	vmul.f32 v23, v13;
	v21 =	vadd.f32 v26, v24;
	v16 =	vor.u32 $0x3F800000, v25  }
0x79: {  	v16 =	vadd.f32 $-1.000000000e+00, v16  }
0x7a: {  	v10 =	vadd.f32 v20, v10;
	v4 =	vmul.f32 v4, v4;
	v14 =	vmul.f32 v14, v6  }
0x7b: {  	v17 =	vadd.f32 $9.962619540e-01, v17;
	v8 =	vmul.f32 $6.931471820e-01, v8;
	v5 =	vmul.f32 v5, v5  }
0x7c: {  	v18 =	vshra.s32 v18, $0x17;
	v12 =	vmul.f32 $6.931471820e-01, v12;
	v50 =	vmul.f32 $5.545931310e-02, v16  }
0x7d: {  	v15 =	vshra.s32 v15, $0x17;
	[spmem:s7] =	stream.linear.scatter [tilespmem:s12], [sflag:$0x4], $0x2800, $0x38;
	v3 =	vmul.f32 v3, v3;
	v7 =	vmul.f32 v7, v7;
	[tilespmem:$0xA580] =	vst v63  }
0x7e: {  	v59 =	vmul.f32 v9, v9;
	v49 =	vadd.f32 $9.962619540e-01, v22;
	v52 =	vsub.f32 $2.186654810e-01, v50  }
0x7f: {  	v18 =	vadd.s32 $0xFFFFFF81, v18;
	v19 =	vadd.f32 v19, v21;
	_ =	swait.ge [sflag:s13], $0x2800;
	v11 =	vmul.f32 v17, v11  }
0x80: {  	s22 =	simm.s32 $0x0;
	v51 =	vcvt.s32.f32 v18;
	v14 =	vadd.f32 $-4.664424360e-01, v14;
	[sflag:s13] =	ssyncset.done $0x0;
	v18 =	vmul.f32 v52, v16  }
0x81: {  	v15 =	vadd.s32 $0xFFFFFF81, v15;
	v61 =	vmov s22;
	[sflag:s13] =	ssyncadd.s32 $0xFFFFD800;
	v11 =	vadd.f32 $6.944574120e-05, v11  }
0x82: {  	v15 =	vcvt.s32.f32 v15;
	v53 =	vmul.f32 v14, v6;
	v56 =	vld [tilespmem:s20+$0x0];
	v18 =	vadd.f32 $-4.664424360e-01, v18  }
0x83: {  	v4 =	vmul.f32 v10, v4;
	v13 =	vmul.f32 v49, v13;
	v8 =	vadd.f32 v11, v8  }
0x84: {  	v10 =	vmul.u32 $0x50, v61;
	v57 =	vadd.f32 $9.962619540e-01, v53;
	v55 =	vmul.f32 v18, v16  }
0x85: {  	v4 =	vadd.f32 v4, v19;
	v13 =	vadd.f32 $6.944574120e-05, v13;
	v5 =	vmul.f32 v8, v5  }
0x86: {  	v63 =	vmul.f32 $6.931471820e-01, v51;
	v6 =	vmul.f32 v57, v6;
	v58 =	vadd.f32 $9.962619540e-01, v55  }
0x87: {  	v54 =	vadd.f32 v13, v12;
	v62 =	vmax.f32 v56, $0.0e+00;
	v4 =	vadd.f32 v5, v4  }
0x88: {  	v5 =	vmul.f32 $6.931471820e-01, v15;
	v6 =	vadd.f32 $6.944574120e-05, v6;
	v60 =	vmul.f32 v58, v16  }
0x89: {  	v10 =	vadd.s32 v0, v10;
	v3 =	vmul.f32 v54, v3;
	v11 =	vmin.f32 v62, $7.900000000e+01  }
0x8a: {  	v5 =	vadd.f32 v6, v5;
	v6 =	vtrunc.f32 v11;
	v9 =	vadd.f32 $6.944574120e-05, v60  }
0x8b: {  	v10 =	vbroadcast v10, $0x0;
	v6 =	vcvt.f32.s32 v6  }
0x8c: {  	v3 =	vadd.f32 v3, v4;
	v5 =	vmul.f32 v5, v7;
	v4 =	vadd.f32 v9, v63  }
0x8d: {  	v6 =	vadd.s32 v6, v10  }
0x8e: {  	s22 =	simm.s32 $0x7C00;
	v3 =	vadd.f32 v5, v3;
	v5 =	vadd.s32 v1, v6;
	v4 =	vmul.f32 v4, v59  }
0x8f: {  	s23 =	sadd.s32 $0x10, s20;
	[tilespmem:s22+$0x0] =	vst v5  }
0x90: {  	s24 =	simm.s32 $0x10;
	s25 =	simm.s32 $0x20;
	v3 =	vadd.f32 v4, v3;
	v4 =	vld [tilespmem:s23+$0x0]  }
.LBB2_5:
0x91: {  	p0 =	sne.s32 s25, $0x70;
	_ =	sdelay $0x2  }
0x92: {  	v5 =	vmov s24;
	s24 =	smov.u32 s25  }
0x93: {  	v5 =	vmul.u32 $0x50, v5;
	v4 =	vmax.f32 v4, $0.0e+00  }
0x94: {  	v4 =	vmin.f32 v4, $7.900000000e+01  }
0x95: {  	v5 =	vadd.s32 v0, v5;
	v4 =	vtrunc.f32 v4  }
0x96: {  	v5 =	vbroadcast v5, $0x0;
	v4 =	vcvt.f32.s32 v4  }
.Ltmp1:
0x97: {  	(pc) =	sbr.rel @p0 .LBB2_5-.Ltmp1, $4  }
0x98: {  	v4 =	vadd.s32 v4, v5  }
0x99: {  	s22 =	sadd.s32 $0x10, s22;
	v4 =	vadd.s32 v1, v4  }
0x9a: {  	s23 =	sadd.s32 $0x10, s23;
	[tilespmem:s22+$0x0] =	vst v4  }
0x9b: {  	s25 =	sadd.s32 $0x10, s25;
	v4 =	vld [tilespmem:s23+$0x0]  }
0x9c: {  	_ =	sdelay $0x2  }
0x9d: {  	v5 =	vmov s24  }
0x9e: {  	v5 =	vmul.u32 $0x50, v5;
	v4 =	vmax.f32 v4, $0.0e+00  }
0x9f: {  	v4 =	vmin.f32 v4, $7.900000000e+01  }
0xa0: {  	v5 =	vadd.s32 v0, v5;
	v4 =	vtrunc.f32 v4  }
0xa1: {  	v5 =	vbroadcast v5, $0x0;
	v4 =	vcvt.f32.s32 v4;
	_ =	sdelay $0x1  }
0xa2: {  	v4 =	vadd.s32 v4, v5  }
0xa3: {  	s22 =	sadd.s32 $0x10, s22;
	v4 =	vadd.s32 v1, v4  }
0xa4: {  	[tilespmem:s22+$0x0] =	vst v4  }
0xa5: {  	[tilespmem:s16], [sflag:$0x3] =	stream.indirect.gather [spmem:s2], $0x1, s15, s14, $0xb8;
	[tilespmem:$0xA580] =	vst v63  }
0xa6: {  	_ =	swait.ge [sflag:s17], $0x80  }
0xa7: {  	[sflag:s17] =	ssyncset.done $0x0  }
0xa8: {  	s25 =	simm.s32 $0x0;
	[sflag:s17] =	ssyncadd.s32 $0xFFFFFF80  }
0xa9: {  	v11 =	vld [tilespmem:s25+$0x7C80];
	_ =	sdelay $0x4  }
0xaa: {  	v6 =	vsub.f32 $1.000000000e+00, v11;
	_ =	sdelay $0x1  }
0xab: {  	v4 =	vand.u32 $0x7FFFFF, v11;
	v5 =	vand.u32 $0x7FFFFF, v6  }
0xac: {  	v4 =	vor.u32 $0x3F800000, v4;
	v5 =	vor.u32 $0x3F800000, v5  }
0xad: {  	v8 =	vadd.f32 $-1.000000000e+00, v4;
	v9 =	vadd.f32 $-1.000000000e+00, v5;
	_ =	sdelay $0x1  }
0xae: {  	v4 =	vmul.f32 $5.545931310e-02, v8;
	v7 =	vmul.f32 $5.545931310e-02, v9;
	_ =	sdelay $0x1  }
0xaf: {  	v4 =	vsub.f32 $2.186654810e-01, v4;
	v7 =	vsub.f32 $2.186654810e-01, v7  }
0xb0: {  	s22 =	simm.s32 $0x10  }
0xb1: {  	v5 =	vld [tilespmem:s22+$0x7C80];
	v4 =	vmul.f32 v4, v8;
	v7 =	vmul.f32 v7, v9;
	_ =	sdelay $0x1  }
0xb2: {  	v14 =	vshra.s32 v11, $0x17;
	v10 =	vadd.f32 $-4.664424360e-01, v4;
	v12 =	vadd.f32 $-4.664424360e-01, v7  }
0xb3: {  	v14 =	vadd.s32 $0xFFFFFF81, v14;
	v6 =	vshra.s32 v6, $0x17  }
0xb4: {  	v4 =	vmov s20;
	v10 =	vmul.f32 v10, v8;
	v12 =	vmul.f32 v12, v9  }
0xb5: {  	v14 =	vcvt.s32.f32 v14;
	v6 =	vadd.s32 $0xFFFFFF81, v6;
	v7 =	vsub.f32 $1.000000000e+00, v5  }
0xb6: {  	v13 =	vand.u32 $0x7FFFFF, v5;
	v10 =	vadd.f32 $9.962619540e-01, v10;
	v12 =	vadd.f32 $9.962619540e-01, v12  }
0xb7: {  	v6 =	vcvt.s32.f32 v6;
	v13 =	vor.u32 $0x3F800000, v13;
	v15 =	vand.u32 $0x7FFFFF, v7  }
0xb8: {  	v15 =	vor.u32 $0x3F800000, v15;
	v10 =	vmul.f32 v10, v8;
	v12 =	vmul.f32 v12, v9  }
0xb9: {  	v16 =	vld.idx.msk [tilespmem:v4+s25+$0x0 ss:$0x1], $0xffff;
	v8 =	vadd.f32 $-1.000000000e+00, v15;
	v9 =	vadd.f32 $-1.000000000e+00, v13;
	v13 =	vmul.f32 $6.931471820e-01, v14  }
0xba: {  	s23 =	simm.s32 $0x20;
	v19 =	vld.idx.msk [tilespmem:v4+s25+$0x80 ss:$0x1], $0xffff;
	v14 =	vmul.f32 $6.931471820e-01, v6;
	v10 =	vadd.f32 $6.944574120e-05, v10;
	v12 =	vadd.f32 $6.944574120e-05, v12  }
0xbb: {  	v6 =	vld [tilespmem:s23+$0x7C80];
	v17 =	vmul.f32 $5.545931310e-02, v8;
	v15 =	vmul.f32 $5.545931310e-02, v9  }
0xbc: {  	v13 =	vadd.f32 v10, v13;
	v10 =	vadd.f32 v12, v14  }
0xbd: {  	v11 =	vmul.f32 v11, v11;
	v18 =	vsub.f32 $2.186654810e-01, v17;
	v12 =	vsub.f32 $2.186654810e-01, v15  }
0xbe: {  	vm0 =	vge.f32 v16, $0.0e+00;
	vm1 =	vlt.f32 v16, $8.000000000e+01;
	v13 =	vsub.f32 v13, v10  }
0xbf: {  	v15 =	vshra.s32 v5, $0x17;
	v18 =	vmul.f32 v18, v8;
	v16 =	vmul.f32 v12, v9  }
0xc0: {  	s24 =	simm.s32 $0xC0;
	v17 =	vand.u32 $0x7FFFFF, v6;
	v14 =	vsub.f32 $1.000000000e+00, v6;
	v12 =	vld.idx.msk [tilespmem:v4+s25+$0x100 ss:$0x1], $0xffff;
	v13 =	vmul.f32 v13, v19  }
.LBB2_7:
0xc1: {  	p0 =	sne.s32 s24, $0x1C0;
	v15 =	vadd.s32 $0xFFFFFF81, v15;
	v16 =	vadd.f32 $-4.664424360e-01, v16;
	vm0 =	vmand vm0, vm1  }
0xc2: {  	v17 =	vor.u32 $0x3F800000, v17;
	v18 =	vadd.f32 $-4.664424360e-01, v18;
	v13 =	vadd.f32 v13, v10  }
0xc3: {  	v19 =	vshra.s32 v7, $0x17;
	v15 =	vcvt.s32.f32 v15;
	v7 =	vmovc v14;
	v16 =	vmul.f32 v16, v9  }
0xc4: {  	v10 =	vmul.f32 v10, v11;
	v14 =	vmul.f32 v18, v8;
	v13 =	vsub.f32 $0.0e+00, v13  }
0xc5: {  	v11 =	vand.u32 $0x7FFFFF, v7;
	v18 =	vadd.s32 $0xFFFFFF81, v19;
	v16 =	vadd.f32 $9.962619540e-01, v16  }
0xc6: {  	v10 =	vmul.f32 $7.500000000e-01, v10;
	v14 =	vadd.f32 $9.962619540e-01, v14;
	v12 =	vmul.f32 v13, v12  }
0xc7: {  	v11 =	vor.u32 $0x3F800000, v11;
	v18 =	vcvt.s32.f32 v18;
	v13 =	vadd.f32 $-1.000000000e+00, v17;
	v17 =	vld.idx.msk [tilespmem:v4+s22+$0x0 ss:$0x1], $0xffff  }
0xc8: {  	v16 =	vmul.f32 v16, v9;
	v14 =	vmul.f32 v14, v8;
	v10 =	vadd.f32 v10, v12  }
0xc9: {  	s25 =	sshra.s32 s24, $0x2;
	v8 =	vadd.f32 $-1.000000000e+00, v11;
	v11 =	vmul.f32 $6.931471820e-01, v15;
	v12 =	vmul.f32 $6.931471820e-01, v18;
	v9 =	vmovc v13;
	v19 =	vld.idx.msk [tilespmem:v4+s22+$0x80 ss:$0x1], $0xffff  }
0xca: {  	v15 =	vadd.f32 $6.944574120e-05, v16;
	v13 =	vld [tilespmem:s25+$0x7C80];
	v14 =	vadd.f32 $6.944574120e-05, v14;
	v10 =	vnsel vm0, $0x0, v10  }
0xcb: {  	v16 =	vmul.f32 $5.545931310e-02, v9;
	v2 =	vadd.f32 v10, v2  }
.Ltmp2:
0xcc: {  	v18 =	vmul.f32 $5.545931310e-02, v8;
	v11 =	vadd.f32 v15, v11;
	v10 =	vadd.f32 v14, v12;
	(pc) =	sbr.rel @p0 .LBB2_7-.Ltmp2, $4  }
0xcd: {  	v12 =	vsub.f32 $2.186654810e-01, v16;
	vm0 =	vge.f32 v17, $0.0e+00;
	vm1 =	vlt.f32 v17, $8.000000000e+01  }
0xce: {  	v18 =	vsub.f32 $2.186654810e-01, v18;
	v20 =	vsub.f32 v11, v10;
	v11 =	vmul.f32 v5, v5;
	v5 =	vmovc v6  }
0xcf: {  	v16 =	vmul.f32 v12, v9;
	v17 =	vand.u32 $0x7FFFFF, v13;
	v15 =	vshra.s32 v5, $0x17;
	v6 =	vmovc v13  }
0xd0: {  	s24 =	sadd.s32 $0x40, s24;
	v18 =	vmul.f32 v18, v8;
	v14 =	vsub.f32 $1.000000000e+00, v6;
	v12 =	vld.idx.msk [tilespmem:v4+s22+$0x100 ss:$0x1], $0xffff;
	v13 =	vmul.f32 v20, v19;
	s22 =	smov.u32 s23;
	s23 =	smov.u32 s25  }
0xd1: {  	_ = 	snop  }
0xd2: {  	v19 =	vand.u32 $0x7FFFFF, v14  }
0xd3: {  	v17 =	vor.u32 $0x3F800000, v17;
	v19 =	vor.u32 $0x3F800000, v19  }
0xd4: {  	v17 =	vadd.f32 $-1.000000000e+00, v17;
	v19 =	vadd.f32 $-1.000000000e+00, v19;
	_ =	sdelay $0x1  }
0xd5: {  	v15 =	vadd.s32 $0xFFFFFF81, v15;
	v20 =	vmul.f32 $5.545931310e-02, v17;
	v21 =	vmul.f32 $5.545931310e-02, v19  }
0xd6: {  	v16 =	vadd.f32 $-4.664424360e-01, v16;
	v7 =	vshra.s32 v7, $0x17;
	v15 =	vcvt.s32.f32 v15  }
0xd7: {  	v7 =	vadd.s32 $0xFFFFFF81, v7;
	v20 =	vsub.f32 $2.186654810e-01, v20;
	v21 =	vsub.f32 $2.186654810e-01, v21  }
0xd8: {  	v18 =	vadd.f32 $-4.664424360e-01, v18;
	v16 =	vmul.f32 v16, v9;
	v7 =	vcvt.s32.f32 v7  }
0xd9: {  	v54 =	vshra.s32 v14, $0x17;
	v20 =	vmul.f32 v20, v17;
	v21 =	vmul.f32 v21, v19  }
0xda: {  	v14 =	vadd.s32 $0xFFFFFF81, v54;
	v18 =	vmul.f32 v18, v8;
	v16 =	vadd.f32 $9.962619540e-01, v16  }
0xdb: {  	v15 =	vmul.f32 $6.931471820e-01, v15;
	v20 =	vadd.f32 $-4.664424360e-01, v20;
	v50 =	vadd.f32 $-4.664424360e-01, v21  }
0xdc: {  	v14 =	vcvt.s32.f32 v14;
	v18 =	vadd.f32 $9.962619540e-01, v18;
	v49 =	vmul.f32 v16, v9  }
0xdd: {  	v20 =	vmul.f32 v20, v17;
	v16 =	vmul.f32 v50, v19  }
0xde: {  	v53 =	vshra.s32 v6, $0x17;
	v7 =	vmul.f32 $6.931471820e-01, v7;
	v51 =	vmul.f32 v18, v8  }
0xdf: {  	v18 =	vadd.s32 $0xFFFFFF81, v53;
	v52 =	vadd.f32 $9.962619540e-01, v20;
	v16 =	vadd.f32 $9.962619540e-01, v16  }
0xe0: {  	v9 =	vadd.f32 $6.944574120e-05, v49;
	v18 =	vcvt.s32.f32 v18;
	v8 =	vadd.f32 $6.944574120e-05, v51  }
0xe1: {  	v17 =	vmul.f32 v52, v17;
	v16 =	vmul.f32 v16, v19  }
0xe2: {  	v55 =	vld.idx.msk [tilespmem:v4+s22+$0x80 ss:$0x1], $0xffff;
	v14 =	vmul.f32 $6.931471820e-01, v14;
	v9 =	vadd.f32 v9, v15;
	v7 =	vadd.f32 v8, v7  }
0xe3: {  	v56 =	vmul.f32 $6.931471820e-01, v18;
	v57 =	vadd.f32 $6.944574120e-05, v17;
	v16 =	vadd.f32 $6.944574120e-05, v16  }
0xe4: {  	v58 =	vld.idx.msk [tilespmem:v4+s23+$0x80 ss:$0x1], $0xffff;
	v9 =	vsub.f32 v9, v7  }
0xe5: {  	v8 =	vadd.f32 v57, v56;
	v14 =	vadd.f32 v16, v14  }
0xe6: {  	v13 =	vadd.f32 v13, v10  }
0xe7: {  	v59 =	vmul.f32 v10, v11;
	v9 =	vmul.f32 v9, v55;
	v8 =	vsub.f32 v8, v14  }
0xe8: {  	v60 =	vld.idx.msk [tilespmem:v4+s22+$0x100 ss:$0x1], $0xffff;
	v5 =	vmul.f32 v5, v5;
	v13 =	vsub.f32 $0.0e+00, v13  }
0xe9: {  	v61 =	vld.idx.msk [tilespmem:v4+s22+$0x0 ss:$0x1], $0xffff;
	v10 =	vmul.f32 $7.500000000e-01, v59;
	v9 =	vadd.f32 v9, v7;
	v8 =	vmul.f32 v8, v58  }
0xea: {  	v62 =	vld.idx.msk [tilespmem:v4+s23+$0x100 ss:$0x1], $0xffff;
	v12 =	vmul.f32 v13, v12;
	v5 =	vmul.f32 v7, v5  }
0xeb: {  	v63 =	vmul.f32 v6, v6;
	v4 =	vld.idx.msk [tilespmem:v4+s23+$0x0 ss:$0x1], $0xffff;
	v9 =	vsub.f32 $0.0e+00, v9;
	v8 =	vadd.f32 v8, v14  }
0xec: {  	vm0 =	vmand vm0, vm1;
	v10 =	vadd.f32 v10, v12;
	v5 =	vmul.f32 $7.500000000e-01, v5  }
0xed: {  	v9 =	vmul.f32 v9, v60;
	v6 =	vmul.f32 v14, v63;
	v8 =	vsub.f32 $0.0e+00, v8  }
0xee: {  	s21 =	sadd.s32 $0x1, s21;
	vm12 =	vge.f32 v61, $0.0e+00;
	vm13 =	vlt.f32 v61, $8.000000000e+01;
	v10 =	vnsel vm0, $0x0, v10  }
0xef: {  	p0 =	sne.s32 s21, $0xA;
	v5 =	vadd.f32 v5, v9;
	v6 =	vmul.f32 $7.500000000e-01, v6;
	v7 =	vmul.f32 v8, v62  }
.Ltmp3:
0xf0: {  	vm14 =	vge.f32 v4, $0.0e+00;
	vm0 =	vmand vm12, vm13;
	v2 =	vadd.f32 v10, v2;
	(pc) =	sbr.rel @p0 .LBB2_2-.Ltmp3, $4  }
0xf1: {  	vm15 =	vlt.f32 v4, $8.000000000e+01;
	v5 =	vnsel vm0, $0x0, v5;
	v4 =	vadd.f32 v6, v7  }
0xf2: {  	vm0 =	vmand vm14, vm15;
	v2 =	vadd.f32 v5, v2  }
0xf3: {  	v4 =	vnsel vm0, $0x0, v4  }
0xf4: {  	s20 =	sadd.s32 $0x200, s20;
	v2 =	vadd.f32 v4, v2  }
0xf5: {  	v3 =	vmul.f32 $-7.500000000e-01, v3;
	_ =	sdelay $0x1  }
0xf6: {  	s19 =	sadd.s32 $0x1, s19;
	v2 =	vadd.f32 v3, v2  }
0xf7: {  	p0 =	sne.s32 s19, s9  }
.Ltmp4:
0xf8: {  	[tilespmem:$0xA500] =	vst v2;
	(pc) =	sbr.rel @p0 .LBB2_1-.Ltmp4, $4  }
0xf9: {  	[hbm4b:s8+s3] =	stream.linear.scatter [tilespmem:s18], [sflag:$0x4], $0x80, $0x38;
	[tilespmem:$0xA580] =	vst v63  }
0xfa: {  	_ =	swait.ge [sflag:s13], $0x80  }
0xfb: {  	[sflag:s13] =	ssyncset.done $0x0  }
0xfc: {  	[sflag:s13] =	ssyncadd.s32 $0xFFFFFF80  }
0xfd: {  	_ =	sfence.sel $0x180000  }
0xfe: {  	[bflag:$0x0] =	sbarrier.arrive $0xFFFF  }
0xff: {  	p0 =	sne.s32 s1, $0x0;
	_ =	strace $0x90000047  }
0x100: {  	s0 =	sadd.s32 @!p0 $0x100000, s0;
	[bflag:$0x2] =	sbarrier.arrive $0xFFFF  }
0x101: {  	[sflag:s0] =	ssyncadd.tile.s32 @!p0 $0x1;
	_ =	shalt  }
.Lfunc_end2:
_tile_overlayer_lowered:
.L_overlay_start_2:
0x102: {  	(tag) =	ssettag $0x2  }
0x103: {  	s0 =	rddreg [dreg:$0x0];
	s2 =	stileid.u32  }
0x104: {  	s1 =	rddreg [dreg:$0x1];
	p0 =	sne.s32 s2, $0x0  }
0x105: {  	s3 =	rddreg [dreg:$0x2];
	[bflag:$0x3] =	sbarrier.arrive $0xFFFF;
	s2 =	simm.s32 @!p0 $0x1C04  }
0x106: {  	[timem:s3], [sflag:s2] =	dma.local @!p0 [hbm:s0], s1  }
0x107: {  	s0 =	simm.s32 @!p0 $0x4  }
0x108: {  	_ =	swait.ge @!p0 [sflag:s0], s1  }
0x109: {  	s1 =	ssub.s32 @!p0 $0x0, s1;
	[sflag:s0] =	ssyncset.done @!p0 $0x0  }
0x10a: {  	[sflag:s0] =	ssyncadd.s32 @!p0 s1  }
0x10b: {  	[bflag:$0x3] =	sbarrier.arrive $0xFFFF  }
0x10c: {  	_ =	shalt  }

</sc_bundles>
